<compile_context>
chip_gen: v7x
topology: tpu7x:2x2x1
jax: 0.10.2.dev20260603
libtpu: 0.0.44.dev20260713+nightly
codegen_flags: <defaults>
</compile_context>

<pallas_src>
import functools

import jax
import jax.numpy as jnp
from jax import lax
from jax.experimental import pallas as pl
from jax.experimental.pallas import tpu as pltpu
from jax.experimental.pallas import tpu_sc as plsc

_BM = 256


def _pack2(lo_bf16, hi_bf16):
    lo = lax.bitcast_convert_type(lo_bf16, jnp.uint16).astype(jnp.uint32)
    hi = lax.bitcast_convert_type(hi_bf16, jnp.uint16).astype(jnp.uint32)
    return lax.bitcast_convert_type(lo | (hi << 16), jnp.int32)


def _unpack2(packed_i32):
    u = lax.bitcast_convert_type(packed_i32, jnp.uint32)
    lo = lax.bitcast_convert_type(u << 16, jnp.float32)
    hi = lax.bitcast_convert_type(u & jnp.uint32(0xFFFF0000), jnp.float32)
    return lo, hi


def _routing(expert_idxs, expert_p, n_experts, bm):
    t, k = expert_idxs.shape
    tk = t * k
    flat_e = expert_idxs.reshape(-1).astype(jnp.int32)
    onehot = (flat_e[:, None] == jnp.arange(n_experts, dtype=jnp.int32)[None, :]
              ).astype(jnp.int32)
    ranks = jnp.cumsum(onehot, axis=0) - onehot
    rank = jnp.sum(ranks * onehot, axis=1)
    counts = jnp.sum(onehot, axis=0)
    blocks_per_e = (counts + bm - 1) // bm
    block_starts = jnp.concatenate(
        [jnp.zeros(1, jnp.int32), jnp.cumsum(blocks_per_e)[:-1].astype(jnp.int32)])
    slots = block_starts[flat_e] * bm + rank
    nb = tk // bm + n_experts
    p = nb * bm
    barange = jnp.arange(nb, dtype=jnp.int32)
    eids = jnp.clip(
        jnp.sum(barange[:, None] >= block_starts[None, :], axis=1) - 1,
        0, n_experts - 1).astype(jnp.int32)
    return slots, eids, p, nb


def _sc_dispatch(x, tok, slots, pf, p):
    t, d = x.shape
    tk = tok.shape[0]
    info = plsc.get_sparse_core_info()
    nc, ns = info.num_cores, info.num_subcores
    nw = nc * ns
    per_w = tk // nw
    ch = min(32, per_w)
    n_ch = per_w // ch
    mesh = plsc.VectorSubcoreMesh(core_axis_name="c", subcore_axis_name="s")

    @functools.partial(
        pl.kernel,
        out_type=(jax.ShapeDtypeStruct((p, d), x.dtype),
                  jax.ShapeDtypeStruct((p, 128), jnp.float32)),
        mesh=mesh,
        scratch_types=[
            pltpu.VMEM((ch,), jnp.int32),
            pltpu.VMEM((ch,), jnp.int32),
            pltpu.VMEM((ch, d), x.dtype),
            pltpu.VMEM((ch, 128), jnp.float32),
            pltpu.SemaphoreType.DMA,
        ],
    )
    def k(x_hbm, tok_hbm, slots_hbm, pf_hbm, xs_hbm, w16_hbm,
          tokv, slotv, rowsv, pfv, sem):
        wid = lax.axis_index("s") * nc + lax.axis_index("c")
        w0 = wid * per_w

        def body(i, carry):
            base = pl.multiple_of(w0 + i * ch, 8)
            pltpu.sync_copy(tok_hbm.at[pl.ds(base, ch)], tokv)
            pltpu.sync_copy(slots_hbm.at[pl.ds(base, ch)], slotv)
            pltpu.sync_copy(pf_hbm.at[pl.ds(base, ch)], pfv)
            pltpu.async_copy(x_hbm.at[tokv], rowsv, sem).wait()
            pltpu.async_copy(rowsv, xs_hbm.at[slotv], sem).wait()
            pltpu.async_copy(pfv, w16_hbm.at[slotv], sem).wait()
            return carry

        lax.fori_loop(0, n_ch, body, 0)

    return k(x, tok, slots, pf)


def _sc_gather(table, idx, m):
    d = table.shape[1]
    info = plsc.get_sparse_core_info()
    nc, ns = info.num_cores, info.num_subcores
    nw = nc * ns
    rows_per_w = m // nw
    ch = min(32, rows_per_w)
    n_ch = rows_per_w // ch
    mesh = plsc.VectorSubcoreMesh(core_axis_name="c", subcore_axis_name="s")

    @functools.partial(
        pl.kernel,
        out_type=jax.ShapeDtypeStruct((m, d), table.dtype),
        mesh=mesh,
        scratch_types=[
            pltpu.VMEM((ch,), jnp.int32),
            pltpu.VMEM((ch, d), table.dtype),
            pltpu.SemaphoreType.DMA,
        ],
    )
    def k(table_hbm, idx_hbm, out_hbm, idxv, rowsv, sem):
        wid = lax.axis_index("s") * nc + lax.axis_index("c")
        w0 = wid * rows_per_w

        def body(i, carry):
            base = pl.multiple_of(w0 + i * ch, 8)
            pltpu.sync_copy(idx_hbm.at[pl.ds(base, ch)], idxv)
            pltpu.async_copy(table_hbm.at[idxv], rowsv, sem).wait()
            pltpu.sync_copy(rowsv, out_hbm.at[pl.ds(base, ch)])
            return carry

        lax.fori_loop(0, n_ch, body, 0)

    return k(table, idx)


def _up_glu(xs, w_up, w16, eids, p, nb, bm):
    e, d, h2 = w_up.shape
    h = h2 // 2
    bn = 1024
    nh = h // bn

    dh = d // 2

    def body(eref, x_ref, wha_ref, whb_ref, wga_ref, wgb_ref, wr_ref, out_ref):
        xa_f, xb_f = _unpack2(x_ref[...])
        xa = xa_f.astype(jnp.bfloat16)
        xb = xb_f.astype(jnp.bfloat16)
        hh = (jnp.dot(xa, wha_ref[0].astype(jnp.bfloat16),
                      preferred_element_type=jnp.float32) +
              jnp.dot(xb, whb_ref[0].astype(jnp.bfloat16),
                      preferred_element_type=jnp.float32))
        g = (jnp.dot(xa, wga_ref[0].astype(jnp.bfloat16),
                     preferred_element_type=jnp.float32) +
             jnp.dot(xb, wgb_ref[0].astype(jnp.bfloat16),
                     preferred_element_type=jnp.float32))
        a = hh * (g * jax.nn.sigmoid(g)) * wr_ref[:, 0:1]
        out_ref[...] = a.astype(jnp.bfloat16)

    gridspec = pltpu.PrefetchScalarGridSpec(
        num_scalar_prefetch=1,
        grid=(nh, nb),
        in_specs=[
            pl.BlockSpec((bm, dh), lambda n, b, er: (b, 0)),
            pl.BlockSpec((1, dh, bn), lambda n, b, er: (er[b], 0, n)),
            pl.BlockSpec((1, dh, bn), lambda n, b, er: (er[b], 1, n)),
            pl.BlockSpec((1, dh, bn), lambda n, b, er: (er[b], 0, nh + n)),
            pl.BlockSpec((1, dh, bn), lambda n, b, er: (er[b], 1, nh + n)),
            pl.BlockSpec((bm, 128), lambda n, b, er: (b, 0)),
        ],
        out_specs=pl.BlockSpec((bm, bn), lambda n, b, er: (b, n)),
    )
    return pl.pallas_call(
        body,
        grid_spec=gridspec,
        out_shape=jax.ShapeDtypeStruct((p, h), jnp.bfloat16),
        compiler_params=pltpu.CompilerParams(
            dimension_semantics=("arbitrary", "arbitrary"),
            vmem_limit_bytes=60 * 1024 * 1024),
    )(eids, xs, w_up, w_up, w_up, w_up, w16)


def _down(a, w_down, eids, p, nb, bm):
    e, h, d = w_down.shape
    bn = 1024
    nd = d // bn

    hh = h // 2

    def body(eref, a_ref, wda_ref, wdb_ref, out_ref):
        a = a_ref[...]
        y = (jnp.dot(a[:, :hh], wda_ref[0].astype(jnp.bfloat16),
                     preferred_element_type=jnp.float32) +
             jnp.dot(a[:, hh:], wdb_ref[0].astype(jnp.bfloat16),
                     preferred_element_type=jnp.float32))
        dhf = y.shape[1] // 2
        out_ref[...] = _pack2(y[:, :dhf].astype(jnp.bfloat16),
                              y[:, dhf:].astype(jnp.bfloat16))

    gridspec = pltpu.PrefetchScalarGridSpec(
        num_scalar_prefetch=1,
        grid=(nd, nb),
        in_specs=[
            pl.BlockSpec((bm, h), lambda n, b, er: (b, 0)),
            pl.BlockSpec((1, hh, bn), lambda n, b, er: (er[b], 0, n)),
            pl.BlockSpec((1, hh, bn), lambda n, b, er: (er[b], 1, n)),
        ],
        out_specs=pl.BlockSpec((bm, bn // 2), lambda n, b, er: (b, n)),
    )
    return pl.pallas_call(
        body,
        grid_spec=gridspec,
        out_shape=jax.ShapeDtypeStruct((p, d // 2), jnp.int32),
        compiler_params=pltpu.CompilerParams(
            dimension_semantics=("arbitrary", "arbitrary"),
            vmem_limit_bytes=60 * 1024 * 1024),
    )(eids, a, w_down, w_down)


def _pairsum(y2, t, k, d):
    bmt = 256

    dp = d // 2
    half = 512

    def body(in_ref, out_ref):
        pieces = []
        for i in range(dp // half):
            lo, hi = _unpack2(in_ref[:, i * half:(i + 1) * half])
            for j in range(1, k):
                lo2, hi2 = _unpack2(
                    in_ref[:, j * dp + i * half:j * dp + (i + 1) * half])
                lo = lo + lo2
                hi = hi + hi2
            pieces += [lo, hi]
        out_ref[...] = jnp.concatenate(pieces, axis=1)

    return pl.pallas_call(
        body,
        grid=(t // bmt,),
        in_specs=[pl.BlockSpec((bmt, k * d // 2), lambda i: (i, 0))],
        out_specs=pl.BlockSpec((bmt, d), lambda i: (i, 0)),
        out_shape=jax.ShapeDtypeStruct((t, d), jnp.float32),
    )(y2)


def kernel(x, expert_p, w_up, w_down, expert_idxs):
    t, d = x.shape
    e = w_up.shape[0]
    k = expert_idxs.shape[1]
    bm = _BM
    slots, eids, p, nb = _routing(expert_idxs, expert_p, e, bm)
    tok = jnp.arange(t * k, dtype=jnp.int32) // k
    pf = jnp.broadcast_to(expert_p.reshape(t * k, 1), (t * k, 128))
    dh = d // 2
    xp = _pack2(x[:, :dh].astype(jnp.bfloat16), x[:, dh:].astype(jnp.bfloat16))
    xs, w16 = _sc_dispatch(xp, tok, slots, pf, p)
    a = _up_glu(xs, w_up, w16, eids, p, nb, bm)
    ysw = _down(a, w_down, eids, p, nb, bm)
    yflat = _sc_gather(ysw, slots, t * k)
    return _pairsum(yflat.reshape(t, k * d // 2), t, k, d)

# --- scband reference (transcript-rebuilt; emitter-appended) ---
"""Pipeline reference for scband-glumlp-18545668784664 (READ-ONLY COPY).

The authoritative reference and input builder live on the scoring server;
editing this copy changes nothing except your own understanding.
"""

import jax, jax.numpy as jnp
import numpy as np

T, D, H, E, K = 2048, 2048, 4096, 8, 2

def setup_inputs(seed: int = 0) -> dict:
    key = jax.random.key(seed)
    k1, k2, k3, k4, k5 = jax.random.split(key, 5)
    x = jax.random.normal(k1, (T, D), dtype=jnp.float32)
    expert_p = jax.random.uniform(k2, (T, K), dtype=jnp.float32)
    expert_idxs = jax.random.randint(k3, (T, K), 0, E)
    W_up = jax.random.normal(k4, (E, D, 2 * H), dtype=jnp.float32) * 0.02
    W_down = jax.random.normal(k5, (E, H, D), dtype=jnp.float32) * 0.02
    return {"x": x, "expert_p": expert_p, "W_up": W_up, "W_down": W_down, "expert_idxs": expert_idxs}

def reference(x, expert_p, W_up, W_down, expert_idxs):
    # GLUMLP MoE forward: per-token top-k expert GLU MLP, combined with expert_p gates.
    t, d = x.shape
    e_num = W_up.shape[0]
    k_top = expert_idxs.shape[1]
    flat_idx = expert_idxs.reshape(-1)              # [t*k], traced routing
    xr = jnp.repeat(x, k_top, axis=0)               # [t*k, d], token-major replication
    y_flat = jnp.zeros((t * k_top, d), dtype=x.dtype)
    for e in range(e_num):
        mask = flat_idx == e                         # fixed-shape routing mask for expert e
        h2 = xr @ W_up[e]                            # fused up-proj -> [*, 2H]
        h, gates = jnp.split(h2, 2, axis=-1)         # chunk(2, dim=-1)
        a = jax.nn.silu(gates) * h                   # activation(gates) * h
        ye = a @ W_down[e]                           # down-proj
        y_flat = jnp.where(mask[:, None], ye, y_flat)  # select rows routed to expert e
    y = (y_flat.reshape(t, k_top, d) * expert_p[:, :, None]).sum(axis=1)
    return y

if __name__ == "__main__":
    import jax
    _d = setup_inputs()
    print(jax.jit(kernel)(*tuple(_d.values())))

</pallas_src>

<mosaic_0001>
#map = affine_map<(d0, d1) -> (0, 0)>
#map1 = affine_map<(d0, d1) -> (0)>
module attributes {stable_mosaic.version = 14 : i64} {
  func.func @k(%arg0: i32, %arg1: i32, %arg2: memref<6144x1024xi32, #tpu.memory_space<hbm>>, %arg3: memref<4096xi32, #tpu.memory_space<hbm>>, %arg4: memref<4096x1024xi32, #tpu.memory_space<hbm>>, %arg5: memref<32xi32, #tpu.memory_space<vmem>>, %arg6: memref<32x1024xi32, #tpu.memory_space<vmem>>, %arg7: memref<!tpu.dma_semaphore, #tpu.memory_space<semaphore_mem>>) attributes {dimension_semantics = [#tpu.dimension_semantics<core_parallel>, #tpu.dimension_semantics<subcore_parallel>], iteration_bounds = array<i64: 2, 16>, scalar_prefetch = 0 : i64, scratch_operands = 3 : i64, tpu.core_type = #tpu.core_type<sc_vector_subcore>, window_params = [{transform_indices = #map}, {transform_indices = #map1}, {transform_indices = #map}]} {
    %mul3A = arith.constant 2 : i32
    %mul3A_0 = arith.muli %arg1, %mul3A : i32
    %add3A = arith.addi %mul3A_0, %arg0 : i32
    %mul3A_1 = arith.constant 128 : i32
    %mul3A_2 = arith.muli %add3A, %mul3A_1 : i32
    %scan3A = arith.constant 0 : i32
    %scan3A_3 = arith.constant 0 : i32
    %scan3A_4 = arith.constant 4 : i32
    %scan3A_5 = arith.addi %scan3A_3, %scan3A_4 : i32
    %scan3A_6 = arith.constant 1 : i32
    scf.for %scan3A_8 = %scan3A_3 to %scan3A_5 step %scan3A_6  : i32 {
      %mul3A_9 = arith.constant 32 : i32
      %mul3A_10 = arith.muli %scan3A_8, %mul3A_9 : i32
      %add3A_11 = arith.addi %mul3A_2, %mul3A_10 : i32
      %multiple_of3A = tpu.assume_multiple %add3A_11, 8 : i32
      "tpu.region"() ({
        %run_scoped3A = tpu.sem_alloc : memref<!tpu.dma_semaphore, #tpu.memory_space<semaphore_mem>>
        %dma_start3A_16 = tpu.memref_slice %arg3[%multiple_of3A] : memref<4096xi32, #tpu.memory_space<hbm>> -> memref<32xi32, #tpu.memory_space<hbm>>
        %dma_start3A_17 = tpu.memref_slice %arg3[%multiple_of3A] : memref<4096xi32, #tpu.memory_space<hbm>> -> memref<32xi32, #tpu.memory_space<hbm>>
        tpu.enqueue_dma source(%dma_start3A_17 : memref<32xi32, #tpu.memory_space<hbm>>) target(%arg5 : memref<32xi32, #tpu.memory_space<vmem>>) target_semaphore(%run_scoped3A : memref<!tpu.dma_semaphore, #tpu.memory_space<semaphore_mem>>)
        %dma_wait3A_18 = tpu.memref_slice %arg3[%multiple_of3A] : memref<4096xi32, #tpu.memory_space<hbm>> -> memref<32xi32, #tpu.memory_space<hbm>>
        %dma_wait3A_19 = tpu.memref_slice %arg3[%multiple_of3A] : memref<4096xi32, #tpu.memory_space<hbm>> -> memref<32xi32, #tpu.memory_space<hbm>>
        tpu.wait_dma2 semaphore(%run_scoped3A : memref<!tpu.dma_semaphore, #tpu.memory_space<semaphore_mem>>) src(%dma_wait3A_19 : memref<32xi32, #tpu.memory_space<hbm>>) dst(%arg5 : memref<32xi32, #tpu.memory_space<vmem>>)
        tpu.yield
      }) : () -> ()
      %dma_start3A = arith.constant 0 : i32
      %dma_start3A_12 = arith.constant 0 : i32
      %dma_start3A_13 = tpu.memref_slice %arg2[%dma_start3A, %dma_start3A_12] : memref<6144x1024xi32, #tpu.memory_space<hbm>> -> memref<6144x1024xi32, #tpu.memory_space<hbm>>
      tpu.enqueue_indirect_dma source(%dma_start3A_13 : memref<6144x1024xi32, #tpu.memory_space<hbm>>) target(%arg6 : memref<32x1024xi32, #tpu.memory_space<vmem>>) offsets(%arg5 : memref<32xi32, #tpu.memory_space<vmem>>) semaphore(%arg7 : memref<!tpu.dma_semaphore, #tpu.memory_space<semaphore_mem>>)
      %dma_wait3A = arith.constant 0 : i32
      %dma_wait3A_14 = arith.constant 0 : i32
      %dma_wait3A_15 = tpu.memref_slice %arg2[%dma_wait3A, %dma_wait3A_14] : memref<6144x1024xi32, #tpu.memory_space<hbm>> -> memref<6144x1024xi32, #tpu.memory_space<hbm>>
      tpu.wait_indirect_dma semaphore(%arg7 : memref<!tpu.dma_semaphore, #tpu.memory_space<semaphore_mem>>) src(%dma_wait3A_15 : memref<6144x1024xi32, #tpu.memory_space<hbm>>) dst(%arg6 : memref<32x1024xi32, #tpu.memory_space<vmem>>)
      "tpu.region"() ({
        %run_scoped3A = tpu.sem_alloc : memref<!tpu.dma_semaphore, #tpu.memory_space<semaphore_mem>>
        %dma_start3A_16 = arith.constant 0 : i32
        %dma_start3A_17 = tpu.memref_slice %arg4[%multiple_of3A, %dma_start3A_16] : memref<4096x1024xi32, #tpu.memory_space<hbm>> -> memref<32x1024xi32, #tpu.memory_space<hbm>>
        %dma_start3A_18 = arith.constant 0 : i32
        %dma_start3A_19 = tpu.memref_slice %arg4[%multiple_of3A, %dma_start3A_18] : memref<4096x1024xi32, #tpu.memory_space<hbm>> -> memref<32x1024xi32, #tpu.memory_space<hbm>>
        tpu.enqueue_dma source(%arg6 : memref<32x1024xi32, #tpu.memory_space<vmem>>) target(%dma_start3A_19 : memref<32x1024xi32, #tpu.memory_space<hbm>>) target_semaphore(%run_scoped3A : memref<!tpu.dma_semaphore, #tpu.memory_space<semaphore_mem>>)
        %dma_wait3A_20 = arith.constant 0 : i32
        %dma_wait3A_21 = tpu.memref_slice %arg4[%multiple_of3A, %dma_wait3A_20] : memref<4096x1024xi32, #tpu.memory_space<hbm>> -> memref<32x1024xi32, #tpu.memory_space<hbm>>
        %dma_wait3A_22 = arith.constant 0 : i32
        %dma_wait3A_23 = tpu.memref_slice %arg4[%multiple_of3A, %dma_wait3A_22] : memref<4096x1024xi32, #tpu.memory_space<hbm>> -> memref<32x1024xi32, #tpu.memory_space<hbm>>
        tpu.wait_dma2 semaphore(%run_scoped3A : memref<!tpu.dma_semaphore, #tpu.memory_space<semaphore_mem>>) src(%arg6 : memref<32x1024xi32, #tpu.memory_space<vmem>>) dst(%dma_wait3A_23 : memref<32x1024xi32, #tpu.memory_space<hbm>>)
        tpu.yield
      }) : () -> ()
    }
    %scan3A_7 = arith.constant 4 : i32
    return
  }
}

#map = affine_map<(d0, d1) -> (0, 0)>
#map1 = affine_map<(d0, d1) -> (0)>
module attributes {stable_mosaic.version = 14 : i64} {
  func.func @k(%arg0: i32, %arg1: i32, %arg2: memref<2048x1024xi32, #tpu.memory_space<hbm>>, %arg3: memref<4096xi32, #tpu.memory_space<hbm>>, %arg4: memref<4096xi32, #tpu.memory_space<hbm>>, %arg5: memref<4096x128xf32, #tpu.memory_space<hbm>>, %arg6: memref<6144x1024xi32, #tpu.memory_space<hbm>>, %arg7: memref<6144x128xf32, #tpu.memory_space<hbm>>, %arg8: memref<32xi32, #tpu.memory_space<vmem>>, %arg9: memref<32xi32, #tpu.memory_space<vmem>>, %arg10: memref<32x1024xi32, #tpu.memory_space<vmem>>, %arg11: memref<32x128xf32, #tpu.memory_space<vmem>>, %arg12: memref<!tpu.dma_semaphore, #tpu.memory_space<semaphore_mem>>) attributes {dimension_semantics = [#tpu.dimension_semantics<core_parallel>, #tpu.dimension_semantics<subcore_parallel>], iteration_bounds = array<i64: 2, 16>, scalar_prefetch = 0 : i64, scratch_operands = 5 : i64, tpu.core_type = #tpu.core_type<sc_vector_subcore>, window_params = [{transform_indices = #map}, {transform_indices = #map1}, {transform_indices = #map1}, {transform_indices = #map}, {transform_indices = #map}, {transform_indices = #map}]} {
    %mul3A = arith.constant 2 : i32
    %mul3A_0 = arith.muli %arg1, %mul3A : i32
    %add3A = arith.addi %mul3A_0, %arg0 : i32
    %mul3A_1 = arith.constant 128 : i32
    %mul3A_2 = arith.muli %add3A, %mul3A_1 : i32
    %scan3A = arith.constant 0 : i32
    %scan3A_3 = arith.constant 0 : i32
    %scan3A_4 = arith.constant 4 : i32
    %scan3A_5 = arith.addi %scan3A_3, %scan3A_4 : i32
    %scan3A_6 = arith.constant 1 : i32
    scf.for %scan3A_8 = %scan3A_3 to %scan3A_5 step %scan3A_6  : i32 {
      %mul3A_9 = arith.constant 32 : i32
      %mul3A_10 = arith.muli %scan3A_8, %mul3A_9 : i32
      %add3A_11 = arith.addi %mul3A_2, %mul3A_10 : i32
      %multiple_of3A = tpu.assume_multiple %add3A_11, 8 : i32
      "tpu.region"() ({
        %run_scoped3A = tpu.sem_alloc : memref<!tpu.dma_semaphore, #tpu.memory_space<semaphore_mem>>
        %dma_start3A_28 = tpu.memref_slice %arg3[%multiple_of3A] : memref<4096xi32, #tpu.memory_space<hbm>> -> memref<32xi32, #tpu.memory_space<hbm>>
        %dma_start3A_29 = tpu.memref_slice %arg3[%multiple_of3A] : memref<4096xi32, #tpu.memory_space<hbm>> -> memref<32xi32, #tpu.memory_space<hbm>>
        tpu.enqueue_dma source(%dma_start3A_29 : memref<32xi32, #tpu.memory_space<hbm>>) target(%arg8 : memref<32xi32, #tpu.memory_space<vmem>>) target_semaphore(%run_scoped3A : memref<!tpu.dma_semaphore, #tpu.memory_space<semaphore_mem>>)
        %dma_wait3A_30 = tpu.memref_slice %arg3[%multiple_of3A] : memref<4096xi32, #tpu.memory_space<hbm>> -> memref<32xi32, #tpu.memory_space<hbm>>
        %dma_wait3A_31 = tpu.memref_slice %arg3[%multiple_of3A] : memref<4096xi32, #tpu.memory_space<hbm>> -> memref<32xi32, #tpu.memory_space<hbm>>
        tpu.wait_dma2 semaphore(%run_scoped3A : memref<!tpu.dma_semaphore, #tpu.memory_space<semaphore_mem>>) src(%dma_wait3A_31 : memref<32xi32, #tpu.memory_space<hbm>>) dst(%arg8 : memref<32xi32, #tpu.memory_space<vmem>>)
        tpu.yield
      }) : () -> ()
      "tpu.region"() ({
        %run_scoped3A = tpu.sem_alloc : memref<!tpu.dma_semaphore, #tpu.memory_space<semaphore_mem>>
        %dma_start3A_28 = tpu.memref_slice %arg4[%multiple_of3A] : memref<4096xi32, #tpu.memory_space<hbm>> -> memref<32xi32, #tpu.memory_space<hbm>>
        %dma_start3A_29 = tpu.memref_slice %arg4[%multiple_of3A] : memref<4096xi32, #tpu.memory_space<hbm>> -> memref<32xi32, #tpu.memory_space<hbm>>
        tpu.enqueue_dma source(%dma_start3A_29 : memref<32xi32, #tpu.memory_space<hbm>>) target(%arg9 : memref<32xi32, #tpu.memory_space<vmem>>) target_semaphore(%run_scoped3A : memref<!tpu.dma_semaphore, #tpu.memory_space<semaphore_mem>>)
        %dma_wait3A_30 = tpu.memref_slice %arg4[%multiple_of3A] : memref<4096xi32, #tpu.memory_space<hbm>> -> memref<32xi32, #tpu.memory_space<hbm>>
        %dma_wait3A_31 = tpu.memref_slice %arg4[%multiple_of3A] : memref<4096xi32, #tpu.memory_space<hbm>> -> memref<32xi32, #tpu.memory_space<hbm>>
        tpu.wait_dma2 semaphore(%run_scoped3A : memref<!tpu.dma_semaphore, #tpu.memory_space<semaphore_mem>>) src(%dma_wait3A_31 : memref<32xi32, #tpu.memory_space<hbm>>) dst(%arg9 : memref<32xi32, #tpu.memory_space<vmem>>)
        tpu.yield
      }) : () -> ()
      "tpu.region"() ({
        %run_scoped3A = tpu.sem_alloc : memref<!tpu.dma_semaphore, #tpu.memory_space<semaphore_mem>>
        %dma_start3A_28 = arith.constant 0 : i32
        %dma_start3A_29 = tpu.memref_slice %arg5[%multiple_of3A, %dma_start3A_28] : memref<4096x128xf32, #tpu.memory_space<hbm>> -> memref<32x128xf32, #tpu.memory_space<hbm>>
        %dma_start3A_30 = arith.constant 0 : i32
        %dma_start3A_31 = tpu.memref_slice %arg5[%multiple_of3A, %dma_start3A_30] : memref<4096x128xf32, #tpu.memory_space<hbm>> -> memref<32x128xf32, #tpu.memory_space<hbm>>
        tpu.enqueue_dma source(%dma_start3A_31 : memref<32x128xf32, #tpu.memory_space<hbm>>) target(%arg11 : memref<32x128xf32, #tpu.memory_space<vmem>>) target_semaphore(%run_scoped3A : memref<!tpu.dma_semaphore, #tpu.memory_space<semaphore_mem>>)
        %dma_wait3A_32 = arith.constant 0 : i32
        %dma_wait3A_33 = tpu.memref_slice %arg5[%multiple_of3A, %dma_wait3A_32] : memref<4096x128xf32, #tpu.memory_space<hbm>> -> memref<32x128xf32, #tpu.memory_space<hbm>>
        %dma_wait3A_34 = arith.constant 0 : i32
        %dma_wait3A_35 = tpu.memref_slice %arg5[%multiple_of3A, %dma_wait3A_34] : memref<4096x128xf32, #tpu.memory_space<hbm>> -> memref<32x128xf32, #tpu.memory_space<hbm>>
        tpu.wait_dma2 semaphore(%run_scoped3A : memref<!tpu.dma_semaphore, #tpu.memory_space<semaphore_mem>>) src(%dma_wait3A_35 : memref<32x128xf32, #tpu.memory_space<hbm>>) dst(%arg11 : memref<32x128xf32, #tpu.memory_space<vmem>>)
        tpu.yield
      }) : () -> ()
      %dma_start3A = arith.constant 0 : i32
      %dma_start3A_12 = arith.constant 0 : i32
      %dma_start3A_13 = tpu.memref_slice %arg2[%dma_start3A, %dma_start3A_12] : memref<2048x1024xi32, #tpu.memory_space<hbm>> -> memref<2048x1024xi32, #tpu.memory_space<hbm>>
      tpu.enqueue_indirect_dma source(%dma_start3A_13 : memref<2048x1024xi32, #tpu.memory_space<hbm>>) target(%arg10 : memref<32x1024xi32, #tpu.memory_space<vmem>>) offsets(%arg8 : memref<32xi32, #tpu.memory_space<vmem>>) semaphore(%arg12 : memref<!tpu.dma_semaphore, #tpu.memory_space<semaphore_mem>>)
      %dma_wait3A = arith.constant 0 : i32
      %dma_wait3A_14 = arith.constant 0 : i32
      %dma_wait3A_15 = tpu.memref_slice %arg2[%dma_wait3A, %dma_wait3A_14] : memref<2048x1024xi32, #tpu.memory_space<hbm>> -> memref<2048x1024xi32, #tpu.memory_space<hbm>>
      tpu.wait_indirect_dma semaphore(%arg12 : memref<!tpu.dma_semaphore, #tpu.memory_space<semaphore_mem>>) src(%dma_wait3A_15 : memref<2048x1024xi32, #tpu.memory_space<hbm>>) dst(%arg10 : memref<32x1024xi32, #tpu.memory_space<vmem>>)
      %dma_start3A_16 = arith.constant 0 : i32
      %dma_start3A_17 = arith.constant 0 : i32
      %dma_start3A_18 = tpu.memref_slice %arg6[%dma_start3A_16, %dma_start3A_17] : memref<6144x1024xi32, #tpu.memory_space<hbm>> -> memref<6144x1024xi32, #tpu.memory_space<hbm>>
      tpu.enqueue_indirect_dma source(%arg10 : memref<32x1024xi32, #tpu.memory_space<vmem>>) target(%dma_start3A_18 : memref<6144x1024xi32, #tpu.memory_space<hbm>>) offsets(%arg9 : memref<32xi32, #tpu.memory_space<vmem>>) semaphore(%arg12 : memref<!tpu.dma_semaphore, #tpu.memory_space<semaphore_mem>>)
      %dma_wait3A_19 = arith.constant 0 : i32
      %dma_wait3A_20 = arith.constant 0 : i32
      %dma_wait3A_21 = tpu.memref_slice %arg6[%dma_wait3A_19, %dma_wait3A_20] : memref<6144x1024xi32, #tpu.memory_space<hbm>> -> memref<6144x1024xi32, #tpu.memory_space<hbm>>
      tpu.wait_indirect_dma semaphore(%arg12 : memref<!tpu.dma_semaphore, #tpu.memory_space<semaphore_mem>>) src(%arg10 : memref<32x1024xi32, #tpu.memory_space<vmem>>) dst(%dma_wait3A_21 : memref<6144x1024xi32, #tpu.memory_space<hbm>>)
      %dma_start3A_22 = arith.constant 0 : i32
      %dma_start3A_23 = arith.constant 0 : i32
      %dma_start3A_24 = tpu.memref_slice %arg7[%dma_start3A_22, %dma_start3A_23] : memref<6144x128xf32, #tpu.memory_space<hbm>> -> memref<6144x128xf32, #tpu.memory_space<hbm>>
      tpu.enqueue_indirect_dma source(%arg11 : memref<32x128xf32, #tpu.memory_space<vmem>>) target(%dma_start3A_24 : memref<6144x128xf32, #tpu.memory_space<hbm>>) offsets(%arg9 : memref<32xi32, #tpu.memory_space<vmem>>) semaphore(%arg12 : memref<!tpu.dma_semaphore, #tpu.memory_space<semaphore_mem>>)
      %dma_wait3A_25 = arith.constant 0 : i32
      %dma_wait3A_26 = arith.constant 0 : i32
      %dma_wait3A_27 = tpu.memref_slice %arg7[%dma_wait3A_25, %dma_wait3A_26] : memref<6144x128xf32, #tpu.memory_space<hbm>> -> memref<6144x128xf32, #tpu.memory_space<hbm>>
      tpu.wait_indirect_dma semaphore(%arg12 : memref<!tpu.dma_semaphore, #tpu.memory_space<semaphore_mem>>) src(%arg11 : memref<32x128xf32, #tpu.memory_space<vmem>>) dst(%dma_wait3A_27 : memref<6144x128xf32, #tpu.memory_space<hbm>>)
    }
    %scan3A_7 = arith.constant 4 : i32
    return
  }
}

module attributes {stable_mosaic.version = 14 : i64} {
  func.func @body(%arg0: i32, %arg1: i32, %arg2: memref<24xi32, #tpu.memory_space<smem>>, %arg3: memref<256x1024xi32, #tpu.memory_space<vmem>>, %arg4: memref<1x1024x1024xf32, #tpu.memory_space<vmem>>, %arg5: memref<1x1024x1024xf32, #tpu.memory_space<vmem>>, %arg6: memref<1x1024x1024xf32, #tpu.memory_space<vmem>>, %arg7: memref<1x1024x1024xf32, #tpu.memory_space<vmem>>, %arg8: memref<256x128xf32, #tpu.memory_space<vmem>>, %arg9: memref<256x1024xbf16, #tpu.memory_space<vmem>>) attributes {dimension_semantics = [#tpu.dimension_semantics<arbitrary>, #tpu.dimension_semantics<arbitrary>], iteration_bounds = array<i64: 4, 24>, scalar_prefetch = 1 : i64, scratch_operands = 0 : i64, tpu.core_type = #tpu.core_type<tc>, window_params = [{transform_indices = @transform_0, window_bounds = array<i64: 256, 1024>}, {transform_indices = @transform_1, window_bounds = array<i64: 1, 1024, 1024>}, {transform_indices = @transform_2, window_bounds = array<i64: 1, 1024, 1024>}, {transform_indices = @transform_3, window_bounds = array<i64: 1, 1024, 1024>}, {transform_indices = @transform_4, window_bounds = array<i64: 1, 1024, 1024>}, {transform_indices = @transform_5, window_bounds = array<i64: 256, 128>}, {transform_indices = @transform_6, window_bounds = array<i64: 256, 1024>}]} {
    %get3A = arith.constant 0 : index
    %get3A_0 = arith.constant 0 : index
    %get3A_1 = vector.load %arg3[%get3A, %get3A_0] : memref<256x1024xi32, #tpu.memory_space<vmem>>, vector<256x1024xi32>
    %bitcast_convert_type3A = tpu.bitcast %get3A_1 : vector<256x1024xi32> -> vector<256x1024xi32>
    %shift_left3A = arith.constant 16 : i32
    %shift_left3A_2 = vector.broadcast %shift_left3A : i32 to vector<256x1024xi32>
    %shift_left3A_3 = arith.shli %bitcast_convert_type3A, %shift_left3A_2 : vector<256x1024xi32>
    %bitcast_convert_type3A_4 = tpu.bitcast %shift_left3A_3 : vector<256x1024xi32> -> vector<256x1024xf32>
    %and3A = arith.constant -65536 : i32
    %and3A_5 = vector.broadcast %and3A : i32 to vector<256x1024xi32>
    %and3A_6 = arith.andi %bitcast_convert_type3A, %and3A_5 : vector<256x1024xi32>
    %bitcast_convert_type3A_7 = tpu.bitcast %and3A_6 : vector<256x1024xi32> -> vector<256x1024xf32>
    %convert_element_type3A = arith.truncf %bitcast_convert_type3A_4 : vector<256x1024xf32> to vector<256x1024xbf16>
    %convert_element_type3A_8 = arith.truncf %bitcast_convert_type3A_7 : vector<256x1024xf32> to vector<256x1024xbf16>
    %get3A_9 = arith.constant 0 : index
    %get3A_10 = arith.constant 0 : index
    %get3A_11 = arith.constant 0 : index
    %get3A_12 = vector.load %arg4[%get3A_9, %get3A_10, %get3A_11] : memref<1x1024x1024xf32, #tpu.memory_space<vmem>>, vector<1x1024x1024xf32>
    %get3A_13 = vector.shape_cast %get3A_12 : vector<1x1024x1024xf32> to vector<1024x1024xf32>
    %convert_element_type3A_14 = arith.truncf %get3A_13 : vector<1024x1024xf32> to vector<1024x1024xbf16>
    %dot_general3A = arith.constant dense<0.000000e+00> : vector<256x1024xf32>
    %dot_general3A_15 = tpu.matmul %convert_element_type3A, %convert_element_type3A_14, %dot_general3A {dimension_numbers = #tpu.dot_dimension_numbers<[1], [0], [0], [1], [0, 0, 1, 1], [], []>, transpose_lhs_hint = false} : vector<256x1024xbf16>, vector<1024x1024xbf16>, vector<256x1024xf32> -> vector<256x1024xf32>
    %get3A_16 = arith.constant 0 : index
    %get3A_17 = arith.constant 0 : index
    %get3A_18 = arith.constant 0 : index
    %get3A_19 = vector.load %arg5[%get3A_16, %get3A_17, %get3A_18] : memref<1x1024x1024xf32, #tpu.memory_space<vmem>>, vector<1x1024x1024xf32>
    %get3A_20 = vector.shape_cast %get3A_19 : vector<1x1024x1024xf32> to vector<1024x1024xf32>
    %convert_element_type3A_21 = arith.truncf %get3A_20 : vector<1024x1024xf32> to vector<1024x1024xbf16>
    %dot_general3A_22 = arith.constant dense<0.000000e+00> : vector<256x1024xf32>
    %dot_general3A_23 = tpu.matmul %convert_element_type3A_8, %convert_element_type3A_21, %dot_general3A_22 {dimension_numbers = #tpu.dot_dimension_numbers<[1], [0], [0], [1], [0, 0, 1, 1], [], []>, transpose_lhs_hint = false} : vector<256x1024xbf16>, vector<1024x1024xbf16>, vector<256x1024xf32> -> vector<256x1024xf32>
    %add3A = arith.addf %dot_general3A_15, %dot_general3A_23 : vector<256x1024xf32>
    %get3A_24 = arith.constant 0 : index
    %get3A_25 = arith.constant 0 : index
    %get3A_26 = arith.constant 0 : index
    %get3A_27 = vector.load %arg6[%get3A_24, %get3A_25, %get3A_26] : memref<1x1024x1024xf32, #tpu.memory_space<vmem>>, vector<1x1024x1024xf32>
    %get3A_28 = vector.shape_cast %get3A_27 : vector<1x1024x1024xf32> to vector<1024x1024xf32>
    %convert_element_type3A_29 = arith.truncf %get3A_28 : vector<1024x1024xf32> to vector<1024x1024xbf16>
    %dot_general3A_30 = arith.constant dense<0.000000e+00> : vector<256x1024xf32>
    %dot_general3A_31 = tpu.matmul %convert_element_type3A, %convert_element_type3A_29, %dot_general3A_30 {dimension_numbers = #tpu.dot_dimension_numbers<[1], [0], [0], [1], [0, 0, 1, 1], [], []>, transpose_lhs_hint = false} : vector<256x1024xbf16>, vector<1024x1024xbf16>, vector<256x1024xf32> -> vector<256x1024xf32>
    %get3A_32 = arith.constant 0 : index
    %get3A_33 = arith.constant 0 : index
    %get3A_34 = arith.constant 0 : index
    %get3A_35 = vector.load %arg7[%get3A_32, %get3A_33, %get3A_34] : memref<1x1024x1024xf32, #tpu.memory_space<vmem>>, vector<1x1024x1024xf32>
    %get3A_36 = vector.shape_cast %get3A_35 : vector<1x1024x1024xf32> to vector<1024x1024xf32>
    %convert_element_type3A_37 = arith.truncf %get3A_36 : vector<1024x1024xf32> to vector<1024x1024xbf16>
    %dot_general3A_38 = arith.constant dense<0.000000e+00> : vector<256x1024xf32>
    %dot_general3A_39 = tpu.matmul %convert_element_type3A_8, %convert_element_type3A_37, %dot_general3A_38 {dimension_numbers = #tpu.dot_dimension_numbers<[1], [0], [0], [1], [0, 0, 1, 1], [], []>, transpose_lhs_hint = false} : vector<256x1024xbf16>, vector<1024x1024xbf16>, vector<256x1024xf32> -> vector<256x1024xf32>
    %add3A_40 = arith.addf %dot_general3A_31, %dot_general3A_39 : vector<256x1024xf32>
    %logistic3A = arith.negf %add3A_40 : vector<256x1024xf32>
    %logistic3A_41 = math.exp %logistic3A : vector<256x1024xf32>
    %logistic3A_42 = arith.constant 1.000000e+00 : f32
    %logistic3A_43 = vector.broadcast %logistic3A_42 : f32 to vector<256x1024xf32>
    %logistic3A_44 = arith.addf %logistic3A_43, %logistic3A_41 : vector<256x1024xf32>
    %logistic3A_45 = arith.divf %logistic3A_43, %logistic3A_44 : vector<256x1024xf32>
    %mul3A = arith.mulf %add3A_40, %logistic3A_45 : vector<256x1024xf32>
    %mul3A_46 = arith.mulf %add3A, %mul3A : vector<256x1024xf32>
    %get3A_47 = arith.constant 0 : index
    %get3A_48 = arith.constant 0 : index
    %get3A_49 = vector.load %arg8[%get3A_47, %get3A_48] : memref<256x128xf32, #tpu.memory_space<vmem>>, vector<256x1xf32>
    %mul3A_50 = vector.broadcast %get3A_49 : vector<256x1xf32> to vector<256x1024xf32>
    %mul3A_51 = arith.mulf %mul3A_46, %mul3A_50 : vector<256x1024xf32>
    %convert_element_type3A_52 = arith.truncf %mul3A_51 : vector<256x1024xf32> to vector<256x1024xbf16>
    %swap3A = arith.constant 0 : index
    %swap3A_53 = arith.constant 0 : index
    %swap3A_54 = vector.load %arg9[%swap3A, %swap3A_53] : memref<256x1024xbf16, #tpu.memory_space<vmem>>, vector<256x1024xbf16>
    tpu.vector_store %arg9[%swap3A, %swap3A_53], %convert_element_type3A_52 {strides = array<i32>} : memref<256x1024xbf16, #tpu.memory_space<vmem>>, vector<256x1024xbf16>,
    return
  }
  func.func @transform_0(%arg0: i32, %arg1: i32, %arg2: memref<24xi32, #tpu.memory_space<smem>>) -> (i32, i32) {
    %c0_i32 = arith.constant 0 : i32
    %c0_i32_0 = arith.constant 0 : i32
    return %arg1, %c0_i32 : i32, i32
  }
  func.func @transform_1(%arg0: i32, %arg1: i32, %arg2: memref<24xi32, #tpu.memory_space<smem>>) -> (i32, i32, i32) {
    %get3A = arith.index_cast %arg1 : i32 to index
    %get3A_0 = memref.load %arg2[%get3A] : memref<24xi32, #tpu.memory_space<smem>>
    %c0_i32 = arith.constant 0 : i32
    %c0_i32_1 = arith.constant 0 : i32
    return %get3A_0, %c0_i32, %arg0 : i32, i32, i32
  }
  func.func @transform_2(%arg0: i32, %arg1: i32, %arg2: memref<24xi32, #tpu.memory_space<smem>>) -> (i32, i32, i32) {
    %get3A = arith.index_cast %arg1 : i32 to index
    %get3A_0 = memref.load %arg2[%get3A] : memref<24xi32, #tpu.memory_space<smem>>
    %c1_i32 = arith.constant 1 : i32
    %c0_i32 = arith.constant 0 : i32
    return %get3A_0, %c1_i32, %arg0 : i32, i32, i32
  }
  func.func @transform_3(%arg0: i32, %arg1: i32, %arg2: memref<24xi32, #tpu.memory_space<smem>>) -> (i32, i32, i32) {
    %get3A = arith.index_cast %arg1 : i32 to index
    %get3A_0 = memref.load %arg2[%get3A] : memref<24xi32, #tpu.memory_space<smem>>
    %add3A = arith.constant 4 : i32
    %add3A_1 = arith.addi %add3A, %arg0 : i32
    %c0_i32 = arith.constant 0 : i32
    %c0_i32_2 = arith.constant 0 : i32
    return %get3A_0, %c0_i32, %add3A_1 : i32, i32, i32
  }
  func.func @transform_4(%arg0: i32, %arg1: i32, %arg2: memref<24xi32, #tpu.memory_space<smem>>) -> (i32, i32, i32) {
    %get3A = arith.index_cast %arg1 : i32 to index
    %get3A_0 = memref.load %arg2[%get3A] : memref<24xi32, #tpu.memory_space<smem>>
    %add3A = arith.constant 4 : i32
    %add3A_1 = arith.addi %add3A, %arg0 : i32
    %c1_i32 = arith.constant 1 : i32
    %c0_i32 = arith.constant 0 : i32
    return %get3A_0, %c1_i32, %add3A_1 : i32, i32, i32
  }
  func.func @transform_5(%arg0: i32, %arg1: i32, %arg2: memref<24xi32, #tpu.memory_space<smem>>) -> (i32, i32) {
    %c0_i32 = arith.constant 0 : i32
    %c0_i32_0 = arith.constant 0 : i32
    return %arg1, %c0_i32 : i32, i32
  }
  func.func @transform_6(%arg0: i32, %arg1: i32, %arg2: memref<24xi32, #tpu.memory_space<smem>>) -> (i32, i32) {
    %c0_i32 = arith.constant 0 : i32
    return %arg1, %arg0 : i32, i32
  }
}

module attributes {stable_mosaic.version = 14 : i64} {
  func.func @body(%arg0: i32, %arg1: i32, %arg2: memref<24xi32, #tpu.memory_space<smem>>, %arg3: memref<256x4096xbf16, #tpu.memory_space<vmem>>, %arg4: memref<1x2048x1024xf32, #tpu.memory_space<vmem>>, %arg5: memref<1x2048x1024xf32, #tpu.memory_space<vmem>>, %arg6: memref<256x512xi32, #tpu.memory_space<vmem>>) attributes {dimension_semantics = [#tpu.dimension_semantics<arbitrary>, #tpu.dimension_semantics<arbitrary>], iteration_bounds = array<i64: 2, 24>, scalar_prefetch = 1 : i64, scratch_operands = 0 : i64, tpu.core_type = #tpu.core_type<tc>, window_params = [{transform_indices = @transform_0, window_bounds = array<i64: 256, 4096>}, {transform_indices = @transform_1, window_bounds = array<i64: 1, 2048, 1024>}, {transform_indices = @transform_2, window_bounds = array<i64: 1, 2048, 1024>}, {transform_indices = @transform_3, window_bounds = array<i64: 256, 512>}]} {
    %get3A = arith.constant 0 : index
    %get3A_0 = arith.constant 0 : index
    %get3A_1 = vector.load %arg3[%get3A, %get3A_0] : memref<256x4096xbf16, #tpu.memory_space<vmem>>, vector<256x4096xbf16>
    %slice3A = vector.extract_strided_slice %get3A_1 {offsets = [0, 0], sizes = [256, 2048], strides = [1, 1]} : vector<256x4096xbf16> to vector<256x2048xbf16>
    %get3A_2 = arith.constant 0 : index
    %get3A_3 = arith.constant 0 : index
    %get3A_4 = arith.constant 0 : index
    %get3A_5 = vector.load %arg4[%get3A_2, %get3A_3, %get3A_4] : memref<1x2048x1024xf32, #tpu.memory_space<vmem>>, vector<1x2048x1024xf32>
    %get3A_6 = vector.shape_cast %get3A_5 : vector<1x2048x1024xf32> to vector<2048x1024xf32>
    %convert_element_type3A = arith.truncf %get3A_6 : vector<2048x1024xf32> to vector<2048x1024xbf16>
    %dot_general3A = arith.constant dense<0.000000e+00> : vector<256x1024xf32>
    %dot_general3A_7 = tpu.matmul %slice3A, %convert_element_type3A, %dot_general3A {dimension_numbers = #tpu.dot_dimension_numbers<[1], [0], [0], [1], [0, 0, 1, 1], [], []>, transpose_lhs_hint = false} : vector<256x2048xbf16>, vector<2048x1024xbf16>, vector<256x1024xf32> -> vector<256x1024xf32>
    %slice3A_8 = vector.extract_strided_slice %get3A_1 {offsets = [0, 2048], sizes = [256, 2048], strides = [1, 1]} : vector<256x4096xbf16> to vector<256x2048xbf16>
    %get3A_9 = arith.constant 0 : index
    %get3A_10 = arith.constant 0 : index
    %get3A_11 = arith.constant 0 : index
    %get3A_12 = vector.load %arg5[%get3A_9, %get3A_10, %get3A_11] : memref<1x2048x1024xf32, #tpu.memory_space<vmem>>, vector<1x2048x1024xf32>
    %get3A_13 = vector.shape_cast %get3A_12 : vector<1x2048x1024xf32> to vector<2048x1024xf32>
    %convert_element_type3A_14 = arith.truncf %get3A_13 : vector<2048x1024xf32> to vector<2048x1024xbf16>
    %dot_general3A_15 = arith.constant dense<0.000000e+00> : vector<256x1024xf32>
    %dot_general3A_16 = tpu.matmul %slice3A_8, %convert_element_type3A_14, %dot_general3A_15 {dimension_numbers = #tpu.dot_dimension_numbers<[1], [0], [0], [1], [0, 0, 1, 1], [], []>, transpose_lhs_hint = false} : vector<256x2048xbf16>, vector<2048x1024xbf16>, vector<256x1024xf32> -> vector<256x1024xf32>
    %add3A = arith.addf %dot_general3A_7, %dot_general3A_16 : vector<256x1024xf32>
    %slice3A_17 = vector.extract_strided_slice %add3A {offsets = [0, 0], sizes = [256, 512], strides = [1, 1]} : vector<256x1024xf32> to vector<256x512xf32>
    %convert_element_type3A_18 = arith.truncf %slice3A_17 : vector<256x512xf32> to vector<256x512xbf16>
    %slice3A_19 = vector.extract_strided_slice %add3A {offsets = [0, 512], sizes = [256, 512], strides = [1, 1]} : vector<256x1024xf32> to vector<256x512xf32>
    %convert_element_type3A_20 = arith.truncf %slice3A_19 : vector<256x512xf32> to vector<256x512xbf16>
    %bitcast_convert_type3A = tpu.bitcast %convert_element_type3A_18 : vector<256x512xbf16> -> vector<256x512xi16>
    %convert_element_type3A_21 = arith.extui %bitcast_convert_type3A : vector<256x512xi16> to vector<256x512xi32>
    %bitcast_convert_type3A_22 = tpu.bitcast %convert_element_type3A_20 : vector<256x512xbf16> -> vector<256x512xi16>
    %convert_element_type3A_23 = arith.extui %bitcast_convert_type3A_22 : vector<256x512xi16> to vector<256x512xi32>
    %shift_left3A = arith.constant 16 : i32
    %shift_left3A_24 = vector.broadcast %shift_left3A : i32 to vector<256x512xi32>
    %shift_left3A_25 = arith.shli %convert_element_type3A_23, %shift_left3A_24 : vector<256x512xi32>
    %or3A = arith.ori %convert_element_type3A_21, %shift_left3A_25 : vector<256x512xi32>
    %bitcast_convert_type3A_26 = tpu.bitcast %or3A : vector<256x512xi32> -> vector<256x512xi32>
    %swap3A = arith.constant 0 : index
    %swap3A_27 = arith.constant 0 : index
    %swap3A_28 = vector.load %arg6[%swap3A, %swap3A_27] : memref<256x512xi32, #tpu.memory_space<vmem>>, vector<256x512xi32>
    tpu.vector_store %arg6[%swap3A, %swap3A_27], %bitcast_convert_type3A_26 {strides = array<i32>} : memref<256x512xi32, #tpu.memory_space<vmem>>, vector<256x512xi32>,
    return
  }
  func.func @transform_0(%arg0: i32, %arg1: i32, %arg2: memref<24xi32, #tpu.memory_space<smem>>) -> (i32, i32) {
    %c0_i32 = arith.constant 0 : i32
    %c0_i32_0 = arith.constant 0 : i32
    return %arg1, %c0_i32 : i32, i32
  }
  func.func @transform_1(%arg0: i32, %arg1: i32, %arg2: memref<24xi32, #tpu.memory_space<smem>>) -> (i32, i32, i32) {
    %get3A = arith.index_cast %arg1 : i32 to index
    %get3A_0 = memref.load %arg2[%get3A] : memref<24xi32, #tpu.memory_space<smem>>
    %c0_i32 = arith.constant 0 : i32
    %c0_i32_1 = arith.constant 0 : i32
    return %get3A_0, %c0_i32, %arg0 : i32, i32, i32
  }
  func.func @transform_2(%arg0: i32, %arg1: i32, %arg2: memref<24xi32, #tpu.memory_space<smem>>) -> (i32, i32, i32) {
    %get3A = arith.index_cast %arg1 : i32 to index
    %get3A_0 = memref.load %arg2[%get3A] : memref<24xi32, #tpu.memory_space<smem>>
    %c1_i32 = arith.constant 1 : i32
    %c0_i32 = arith.constant 0 : i32
    return %get3A_0, %c1_i32, %arg0 : i32, i32, i32
  }
  func.func @transform_3(%arg0: i32, %arg1: i32, %arg2: memref<24xi32, #tpu.memory_space<smem>>) -> (i32, i32) {
    %c0_i32 = arith.constant 0 : i32
    return %arg1, %arg0 : i32, i32
  }
}

module attributes {stable_mosaic.version = 14 : i64} {
  func.func @body(%arg0: i32, %arg1: memref<256x2048xi32, #tpu.memory_space<vmem>>, %arg2: memref<256x2048xf32, #tpu.memory_space<vmem>>) attributes {dimension_semantics = [#tpu.dimension_semantics<arbitrary>], iteration_bounds = array<i64: 8>, scalar_prefetch = 0 : i64, scratch_operands = 0 : i64, tpu.core_type = #tpu.core_type<tc>, window_params = [{transform_indices = @transform_0, window_bounds = array<i64: 256, 2048>}, {transform_indices = @transform_1, window_bounds = array<i64: 256, 2048>}]} {
    %get3A = arith.constant 0 : index
    %get3A_0 = arith.constant 0 : index
    %get3A_1 = vector.load %arg1[%get3A, %get3A_0] : memref<256x2048xi32, #tpu.memory_space<vmem>>, vector<256x512xi32>
    %bitcast_convert_type3A = tpu.bitcast %get3A_1 : vector<256x512xi32> -> vector<256x512xi32>
    %shift_left3A = arith.constant 16 : i32
    %shift_left3A_2 = vector.broadcast %shift_left3A : i32 to vector<256x512xi32>
    %shift_left3A_3 = arith.shli %bitcast_convert_type3A, %shift_left3A_2 : vector<256x512xi32>
    %bitcast_convert_type3A_4 = tpu.bitcast %shift_left3A_3 : vector<256x512xi32> -> vector<256x512xf32>
    %and3A = arith.constant -65536 : i32
    %and3A_5 = vector.broadcast %and3A : i32 to vector<256x512xi32>
    %and3A_6 = arith.andi %bitcast_convert_type3A, %and3A_5 : vector<256x512xi32>
    %bitcast_convert_type3A_7 = tpu.bitcast %and3A_6 : vector<256x512xi32> -> vector<256x512xf32>
    %get3A_8 = arith.constant 0 : index
    %get3A_9 = arith.constant 1024 : index
    %get3A_10 = vector.load %arg1[%get3A_8, %get3A_9] : memref<256x2048xi32, #tpu.memory_space<vmem>>, vector<256x512xi32>
    %bitcast_convert_type3A_11 = tpu.bitcast %get3A_10 : vector<256x512xi32> -> vector<256x512xi32>
    %shift_left3A_12 = arith.constant 16 : i32
    %shift_left3A_13 = vector.broadcast %shift_left3A_12 : i32 to vector<256x512xi32>
    %shift_left3A_14 = arith.shli %bitcast_convert_type3A_11, %shift_left3A_13 : vector<256x512xi32>
    %bitcast_convert_type3A_15 = tpu.bitcast %shift_left3A_14 : vector<256x512xi32> -> vector<256x512xf32>
    %and3A_16 = arith.constant -65536 : i32
    %and3A_17 = vector.broadcast %and3A_16 : i32 to vector<256x512xi32>
    %and3A_18 = arith.andi %bitcast_convert_type3A_11, %and3A_17 : vector<256x512xi32>
    %bitcast_convert_type3A_19 = tpu.bitcast %and3A_18 : vector<256x512xi32> -> vector<256x512xf32>
    %add3A = arith.addf %bitcast_convert_type3A_4, %bitcast_convert_type3A_15 : vector<256x512xf32>
    %add3A_20 = arith.addf %bitcast_convert_type3A_7, %bitcast_convert_type3A_19 : vector<256x512xf32>
    %get3A_21 = arith.constant 0 : index
    %get3A_22 = arith.constant 512 : index
    %get3A_23 = vector.load %arg1[%get3A_21, %get3A_22] : memref<256x2048xi32, #tpu.memory_space<vmem>>, vector<256x512xi32>
    %bitcast_convert_type3A_24 = tpu.bitcast %get3A_23 : vector<256x512xi32> -> vector<256x512xi32>
    %shift_left3A_25 = arith.constant 16 : i32
    %shift_left3A_26 = vector.broadcast %shift_left3A_25 : i32 to vector<256x512xi32>
    %shift_left3A_27 = arith.shli %bitcast_convert_type3A_24, %shift_left3A_26 : vector<256x512xi32>
    %bitcast_convert_type3A_28 = tpu.bitcast %shift_left3A_27 : vector<256x512xi32> -> vector<256x512xf32>
    %and3A_29 = arith.constant -65536 : i32
    %and3A_30 = vector.broadcast %and3A_29 : i32 to vector<256x512xi32>
    %and3A_31 = arith.andi %bitcast_convert_type3A_24, %and3A_30 : vector<256x512xi32>
    %bitcast_convert_type3A_32 = tpu.bitcast %and3A_31 : vector<256x512xi32> -> vector<256x512xf32>
    %get3A_33 = arith.constant 0 : index
    %get3A_34 = arith.constant 1536 : index
    %get3A_35 = vector.load %arg1[%get3A_33, %get3A_34] : memref<256x2048xi32, #tpu.memory_space<vmem>>, vector<256x512xi32>
    %bitcast_convert_type3A_36 = tpu.bitcast %get3A_35 : vector<256x512xi32> -> vector<256x512xi32>
    %shift_left3A_37 = arith.constant 16 : i32
    %shift_left3A_38 = vector.broadcast %shift_left3A_37 : i32 to vector<256x512xi32>
    %shift_left3A_39 = arith.shli %bitcast_convert_type3A_36, %shift_left3A_38 : vector<256x512xi32>
    %bitcast_convert_type3A_40 = tpu.bitcast %shift_left3A_39 : vector<256x512xi32> -> vector<256x512xf32>
    %and3A_41 = arith.constant -65536 : i32
    %and3A_42 = vector.broadcast %and3A_41 : i32 to vector<256x512xi32>
    %and3A_43 = arith.andi %bitcast_convert_type3A_36, %and3A_42 : vector<256x512xi32>
    %bitcast_convert_type3A_44 = tpu.bitcast %and3A_43 : vector<256x512xi32> -> vector<256x512xf32>
    %add3A_45 = arith.addf %bitcast_convert_type3A_28, %bitcast_convert_type3A_40 : vector<256x512xf32>
    %add3A_46 = arith.addf %bitcast_convert_type3A_32, %bitcast_convert_type3A_44 : vector<256x512xf32>
    %concatenate3A = tpu.concatenate %add3A, %add3A_20, %add3A_45, %add3A_46 in 1 : vector<256x512xf32>, vector<256x512xf32>, vector<256x512xf32>, vector<256x512xf32> -> vector<256x2048xf32>
    %swap3A = arith.constant 0 : index
    %swap3A_47 = arith.constant 0 : index
    %swap3A_48 = vector.load %arg2[%swap3A, %swap3A_47] : memref<256x2048xf32, #tpu.memory_space<vmem>>, vector<256x2048xf32>
    tpu.vector_store %arg2[%swap3A, %swap3A_47], %concatenate3A {strides = array<i32>} : memref<256x2048xf32, #tpu.memory_space<vmem>>, vector<256x2048xf32>,
    return
  }
  func.func @transform_0(%arg0: i32) -> (i32, i32) {
    %c0_i32 = arith.constant 0 : i32
    %c0_i32_0 = arith.constant 0 : i32
    return %arg0, %c0_i32 : i32, i32
  }
  func.func @transform_1(%arg0: i32) -> (i32, i32) {
    %c0_i32 = arith.constant 0 : i32
    %c0_i32_0 = arith.constant 0 : i32
    return %arg0, %c0_i32 : i32, i32
  }
}

</mosaic_0001>

<sc_bundles>
// kernel: kernel.10.cloned.1.call-start
scs
__scs_entry_jumppad:
0x0: {  	(pc) =	sbr.rel $0x88, $3  }
0x1: {  	(tag) =	ssettag $0x0;
	lr =	simm.s32 $0x1  }
0x2: {  	[smem:$0x3F9C] =	sst lr;
	_ =	strace $0xD0000000  }
0x3: {  	_ = 	snop  }
0x4: {  	_ = 	snop  }
0x5: {  	_ = 	snop  }
0x6: {  	_ = 	snop  }
0x7: {  	_ = 	snop  }
__scs_overlays_trampoline_lowered:
0x8: {  	[smem:$0x3FAB] =	sst s0  }
0x9: {  	[smem:$0x3FAC] =	sst s1  }
0xa: {  	[smem:$0x3FAD] =	sst s2  }
0xb: {  	[smem:$0x3FAE] =	sst s3  }
0xc: {  	[smem:$0x3FAF] =	sst s4  }
0xd: {  	[smem:$0x3FB0] =	sst s5  }
0xe: {  	[smem:$0x3FB1] =	sst s6  }
0xf: {  	[smem:$0x3FB2] =	sst s7  }
0x10: {  	[smem:$0x3FB3] =	sst s8  }
0x11: {  	[smem:$0x3FB4] =	sst s9;
	s0 =	simm.s32 @!p0 $0x0  }
0x12: {  	s1 =	sld [smem:$0x3F9A];
	s0 =	simm.s32 @p0 $0x1  }
0x13: {  	[smem:$0x3FB5] =	sst s0;
	s0 =	simm.s32 @!p1 $0x0  }
0x14: {  	s2 =	sld [smem:$0x3F99];
	s0 =	simm.s32 @p1 $0x1  }
0x15: {  	[smem:$0x3FB6] =	sst s0;
	s0 =	simm.s32 @!p2 $0x0  }
0x16: {  	s3 =	sld [smem:$0x3FDB];
	s0 =	simm.s32 @p2 $0x1  }
0x17: {  	s4 =	simm.s32 $0x1BF5;
	[smem:$0x3FB8] =	sst s0  }
0x18: {  	s0 =	sld [smem:$0x3F9B];
	_ =	swait.ge [sflag:s4], $0x0  }
0x19: {  	s7 =	sld [smem:$0x3F9C]  }
0x1a: {  	s8 =	sadd.s32 $0xFFFFE003, lr  }
0x1b: {  	s9 =	sadd.s32 $0xFFFFFEF7, lr;
	s5 =	simm.s32 $0xFFFFFFFF;
	p2 =	slt.u32 s8, $0xFFFFF086  }
0x1c: {  	p1 =	slt.u32 s9, $0xF7A;
	s5 =	simm.s32 @!p2 $0x0  }
0x1d: {  	s5 =	simm.s32 @p1 $0x1;
	p0 =	seq.s32 s7, s2  }
0x1e: {  	s7 =	smul.u32 @!p0 $0xF7A, s2;
	p2 =	seq.s32 @!p0 s5, $0x0  }
0x1f: {  	s9 =	smul.u32 $0xF7A, s1;
	s8 =	simm.s32 @!p0 $0x1BF5;
	p2 =	por !p2, p0  }
0x20: {  	[sflag:s8] =	ssyncset.s32 @!p0 $0xFFFFF086;
	s6 =	sadd.s32 @!p0 s3, s7;
	s7 =	simm.s32 @!p0 $0x108  }
0x21: {  	s3 =	sadd.s32 s3, s9;
	s6 =	sadd.s32 @!p0 $0x88, s6;
	s7 =	simm.s32 @p2 $0x1082  }
0x22: {  	[simem:s7], [sflag:s8] =	dma.local @!p0 [hbm:s6], $0xF7A  }
0x23: {  	s9 =	sor.u32 $0xD0000000, s2;
	s6 =	simm.s32 $0x108;
	_ =	swait.ge @!p0 [sflag:s8], $0x0  }
0x24: {  	s3 =	sadd.s32 $0x88, s3;
	s6 =	simm.s32 @!p1 $0x1082;
	[sflag:s4] =	ssyncset.s32 $0xFFFFF086  }
0x25: {  	[simem:s6], [sflag:s4] =	dma.local [hbm:s3], $0xF7A  }
0x26: {  	[smem:$0x3F9C] =	sst s1;
	(tag) =	ssettag s2;
	_ =	strace s9  }
0x27: {  	s1 =	sld [smem:$0x3FAC]  }
0x28: {  	s2 =	sld [smem:$0x3FAD]  }
0x29: {  	s4 =	sld [smem:$0x3FAF]  }
0x2a: {  	p0 =	seq.s32 s5, $0x0;
	s5 =	sld [smem:$0x3FB0]  }
0x2b: {  	s6 =	sld [smem:$0x3FB1]  }
0x2c: {  	s7 =	sld [smem:$0x3FB2]  }
0x2d: {  	s3 =	simm.s32 $0x108;
	s8 =	sld [smem:$0x3FB3]  }
0x2e: {  	s3 =	simm.s32 @!p0 $0x1082;
	s9 =	sld [smem:$0x3FB4]  }
0x2f: {  	lr =	sadd.s32 s0, s3;
	s0 =	sld [smem:$0x3FAB]  }
0x30: {  	s3 =	sld [smem:$0x3FAE]  }
0x31: {  	[smem:$0x3FB7] =	sst s10  }
0x32: {  	s10 =	sld [smem:$0x3FB5];
	_ =	sdelay $0x3  }
0x33: {  	p0 =	seq.s32 s10, $0x1;
	s10 =	sld [smem:$0x3FB7];
	_ =	sdelay $0x3  }
0x34: {  	[smem:$0x3FB7] =	sst s10  }
0x35: {  	s10 =	sld [smem:$0x3FB6];
	_ =	sdelay $0x3  }
0x36: {  	p1 =	seq.s32 s10, $0x1;
	s10 =	sld [smem:$0x3FB7];
	_ =	sdelay $0x3  }
0x37: {  	[smem:$0x3FB7] =	sst s10  }
0x38: {  	s10 =	sld [smem:$0x3FB8]  }
0x39: {  	_ = 	snop;
	(pc) =	sbr.ind lr, $3  }
0x3a: {  	_ = 	snop  }
0x3b: {  	_ = 	snop  }
0x3c: {  	p2 =	seq.s32 s10, $0x1;
	s10 =	sld [smem:$0x3FB7]  }
0x3d: {  	_ =	shalt  }
0x3e: {  	_ =	shalt  }
0x3f: {  	_ =	shalt  }
0x40: {  	_ =	shalt  }
0x41: {  	_ =	shalt  }
0x42: {  	_ =	shalt  }
0x43: {  	_ =	shalt  }
0x44: {  	_ =	shalt  }
0x45: {  	_ =	shalt  }
0x46: {  	_ =	shalt  }
0x47: {  	_ =	shalt  }
0x48: {  	_ =	shalt  }
0x49: {  	_ =	shalt  }
0x4a: {  	_ =	shalt  }
0x4b: {  	_ =	shalt  }
0x4c: {  	_ =	shalt  }
0x4d: {  	_ =	shalt  }
0x4e: {  	_ =	shalt  }
0x4f: {  	_ =	shalt  }
0x50: {  	_ =	shalt  }
0x51: {  	_ =	shalt  }
0x52: {  	_ =	shalt  }
0x53: {  	_ =	shalt  }
0x54: {  	_ =	shalt  }
0x55: {  	_ =	shalt  }
0x56: {  	_ =	shalt  }
0x57: {  	_ =	shalt  }
0x58: {  	_ =	shalt  }
0x59: {  	_ =	shalt  }
0x5a: {  	_ =	shalt  }
0x5b: {  	_ =	shalt  }
0x5c: {  	_ =	shalt  }
0x5d: {  	_ =	shalt  }
0x5e: {  	_ =	shalt  }
0x5f: {  	_ =	shalt  }
0x60: {  	_ =	shalt  }
0x61: {  	_ =	shalt  }
0x62: {  	_ =	shalt  }
0x63: {  	_ =	shalt  }
0x64: {  	_ =	shalt  }
0x65: {  	_ =	shalt  }
0x66: {  	_ =	shalt  }
0x67: {  	_ =	shalt  }
0x68: {  	_ =	shalt  }
0x69: {  	_ =	shalt  }
0x6a: {  	_ =	shalt  }
0x6b: {  	_ =	shalt  }
0x6c: {  	_ =	shalt  }
0x6d: {  	_ =	shalt  }
0x6e: {  	_ =	shalt  }
0x6f: {  	_ =	shalt  }
0x70: {  	_ =	shalt  }
0x71: {  	_ =	shalt  }
0x72: {  	_ =	shalt  }
0x73: {  	_ =	shalt  }
0x74: {  	_ =	shalt  }
0x75: {  	_ =	shalt  }
0x76: {  	_ =	shalt  }
0x77: {  	_ =	shalt  }
0x78: {  	_ =	shalt  }
0x79: {  	_ =	shalt  }
0x7a: {  	_ =	shalt  }
0x7b: {  	_ =	shalt  }
0x7c: {  	_ =	shalt  }
0x7d: {  	_ =	shalt  }
0x7e: {  	_ =	shalt  }
0x7f: {  	_ =	shalt  }
0x80: {  	_ =	shalt  }
0x81: {  	_ =	shalt  }
0x82: {  	_ =	shalt  }
0x83: {  	_ =	shalt  }
0x84: {  	_ =	shalt  }
0x85: {  	_ =	shalt  }
0x86: {  	_ =	shalt  }
0x87: {  	_ =	shalt  }
.Lfunc_end0:
.L_simem_size_0:
called_computation.1_lowered:
.L_overlay_start_0:
0x88: {  	s2 =	sld [smem:$0x3FD9]  }
0x89: {  	s3 =	sld [smem:$0x3FFE];
	_ =	sdelay $0x1  }
0x8a: {  	s1 =	srdreg.scid  }
0x8b: {  	s0 =	sand.u32 $0x1, s1  }
0x8c: {  	s17 =	sshll.u32 s0, $0xA;
	s2 =	sadd.s32 s3, s2  }
0x8d: {  	s2 =	sadd.s32 s2, s17  }
0x8e: {  	[smem:$0x3FC3] =	sst s2  }
0x8f: {  	_ = 	snop  }
0x90: {  	s2 =	sld [smem:$0x3FD0];
	(tm) =	ssettm $0x1  }
0x91: {  	s18 =	sld [smem:$0x3FFB];
	_ =	sdelay $0x3  }
0x92: {  	_ =	strace s18  }
0x93: {  	s3 =	sld [smem:$0x3FFC];
	_ =	sdelay $0x3  }
0x94: {  	_ =	strace s3  }
0x95: {  	s3 =	sld [smem:$0x3FFD];
	_ =	sdelay $0x3  }
0x96: {  	_ =	strace s3  }
0x97: {  	_ =	strace $0x8FFFFFFF  }
0x98: {  	s19 =	sld [smem:$0x3FDB];
	_ =	sdelay $0x1  }
0x99: {  	s4 =	simm.s32 $_scs_section_size  }
0x9a: {  	s5 =	simm.s32 $_size__tile_overlayer_lowered;
	s6 =	simm.s32 $_tile_overlayer_lowered  }
0x9b: {  	s22 =	simm.s32 $0x1BFF;
	s21 =	sshll.u32 s6, $0x1;
	s3 =	sadd.s32 s4, s19  }
0x9c: {  	s7 =	simm.s32 $0x0;
	s20 =	sshll.u32 s5, $0x1;
	s5 =	sadd.s32 s21, s3  }
0x9d: {  	[timem:s7], [sflag:s22] =	dma.local [hbm:s5], s20  }
0x9e: {  	_ =	swait.ge [sflag:s22], s20  }
0x9f: {  	s4 =	ssub.s32 $0x0, s20;
	[sflag:s22] =	ssyncset.done $0x0  }
0xa0: {  	[sflag:s22] =	ssyncadd.s32 s4;
	_ =	sdelay $0x1  }
0xa1: {  	s23 =	simm.s32 $0x1B8B  }
0xa2: {  	_ =	swait.ge [sflag:s23], $0x1  }
0xa3: {  	[sflag:s23] =	ssyncset.done $0x0  }
0xa4: {  	s25 =	simm.s32 $0x1B8E;
	s24 =	sld [smem:$0x3FFE];
	[sflag:s23] =	ssyncadd.s32 $0xFFFFFFFF  }
0xa5: {  	s26 =	simm.s32 $execute0_lowered;
	[smem:$0x3FD2] =	sst s25  }
0xa6: {  	s5 =	sshll.u32 s26, $0x1;
	_ =	strace $0x80000049;
	[dreg:$0x1] =	wrdreg $0xFFFFFFFF  }
0xa7: {  	s28 =	simm.s32 $_size_execute0_lowered;
	s3 =	sadd.s32 s3, s5;
	[dreg:$0x0] =	wrdreg $0x0  }
0xa8: {  	s5 =	sshll.u32 s28, $0x1;
	[dreg:$0x2] =	wrdreg s3  }
0xa9: {  	[dreg:$0x3] =	wrdreg s5  }
0xaa: {  	[dreg:$0x4] =	wrdreg $0xC0  }
0xab: {  	_ =	task [dreg:s7], $0x5FFFF  }
0xac: {  	[dreg:$0x1] =	wrdreg $0xFFFFFFFF  }
0xad: {  	[dreg:$0x0] =	wrdreg $0x60  }
0xae: {  	[dreg:$0x2] =	wrdreg s24  }
0xaf: {  	[dreg:$0x3] =	wrdreg s2  }
0xb0: {  	[dreg:$0x4] =	wrdreg $0x9  }
0xb1: {  	_ =	task.clear_ibuf [dreg:s7], $0x5FFFF;
	_ =	strace $0x90000049  }
0xb2: {  	s29 =	simm.s32 $0x9;
	_ =	strace $0x8000004B  }
0xb3: {  	_ =	swait.ge [sflag:s29], $0x1  }
0xb4: {  	[sflag:s29] =	ssyncadd.s32 $0xFFFFFFFF  }
0xb5: {  	_ =	strace $0x9000004B  }
0xb6: {  	_ =	sfence  }
0xb7: {  	s30 =	sld [smem:$0x0];
	_ =	sdelay $0x2  }
0xb8: {  	s31 =	sshll.u32 s1, $0xD;
	s1 =	sshrl.u32 s1, $0x2  }
0xb9: {  	s3 =	sand.u32 $0x4000, s31;
	s1 =	sadd.s32 s1, s30  }
0xba: {  	s0 =	sor.u32 s3, s0;
	s1 =	sshll.u32 s1, $0x11  }
0xbb: {  	s0 =	sor.u32 s1, s0  }
0xbc: {  	s0 =	sadd.s32 $0x8F2B, s0  }
0xbd: {  	[sflag:s0] =	ssyncadd.remote.s32 $0x1  }
0xbe: {  	_ =	sfence.sel $0xFFFF  }
0xbf: {  	[dreg:$0x0] =	wrdreg $0xFFFFFFFF;
	(pc) =	sbr.abs _section_cstart, $3  }
0xc0: {  	[dreg:$0x1] =	wrdreg $0xFFFFFFFF  }
0xc1: {  	_ =	task.clear_ibuf [dreg:s7], $0x2FFFF;
	_ =	strace $0x9FFFFFFF  }
0xc2: {  	(tm) =	ssettm $0x7FFFFFFF  }
0xc3: {  	_ =	shalt  }
tec
execute0_lowered:
.L_overlay_start_1:
0x0: {  	(tag) =	ssettag $0x1  }
0x1: {  	s6 =	rddreg [dreg:$0x0]  }
0x2: {  	s8 =	rddreg [dreg:$0x1];
	s3 =	srdreg.scid  }
0x3: {  	s2 =	simm.s32 $0x0;
	s1 =	stileid.u32;
	s12 =	simm.s32 $0x880  }
0x4: {  	s13 =	simm.s32 $0x1080;
	s14 =	simm.s32 $0x1880;
	s15 =	simm.s32 $0x2080  }
0x5: {  	s16 =	simm.s32 $0x2880;
	s17 =	simm.s32 $0x3080;
	s18 =	simm.s32 $0x3880  }
0x6: {  	s19 =	simm.s32 $0x4080;
	s20 =	simm.s32 $0x4880;
	s21 =	simm.s32 $0x5080  }
0x7: {  	s22 =	simm.s32 $0x5880;
	s23 =	simm.s32 $0x6080;
	s24 =	simm.s32 $0x6880  }
0x8: {  	s25 =	simm.s32 $0x7080;
	s26 =	simm.s32 $0x7880;
	s28 =	simm.s32 $0x1  }
0x9: {  	s29 =	simm.s32 $0x0;
	s9 =	sand.u32 $0x1, s3;
	[smem:$0x7FF] =	sst s2  }
0xa: {  	s31 =	sshll.u32 s1, $0x8;
	s3 =	sadd.s32 $0x400, s6;
	s11 =	sshll.u32 s1, $0xF  }
0xb: {  	s4 =	sshll.u32 s9, $0x7;
	_ =	strace $0x8000004A;
	s5 =	ssub.s32 $0x2, s9  }
0xc: {  	s8 =	sadd.s32 s11, s8;
	s9 =	sshll.u32 s9, $0xE;
	s11 =	simm.s32 $0x80  }
0xd: {  	s4 =	sor.u32 s4, s31;
	s7 =	sshrl.u32 s5, $0x1;
	s8 =	sadd.s32 s9, s8  }
0xe: {  	v2 =	vlaneseq.u32;
	s4 =	sshrl.u32 s4, $0x3;
	s7 =	ssub.s32 s5, s7;
	s5 =	sadd.s32 $0x600, s6  }
0xf: {  	vm0 =	vmmov $0xffff;
	v1 =	vshrl.u32 v2, $0x3;
	s10 =	sadd.s32 s4, s6;
	s4 =	sadd.s32 $0x500, s6;
	s6 =	sadd.s32 $0x700, s6  }
0x10: {  	v0 =	vand.u32 $0x7, v2;
	v2 =	vor.u32 $0x8, v2;
	v1 =	vmul.u32 $0x8, v1;
	s7 =	smax.u32 s7, $0x1;
	s9 =	sadd.s32 $0x200, s10;
	s10 =	simm.s32 $0x2  }
.LBB2_1:
0x11: {  	s30 =	smov.u32 s8;
	s31 =	simm.s32 $0x0  }
.LBB2_2:
0x12: {  	s0 =	sadd.s32 s31, s9  }
0x13: {  	[tilespmem:s2], [sflag:$0x2] =	stream.linear.gather [hbm4b:s0+s2], $0x20, $0x38;
	[tilespmem:$0x8080] =	vst v63  }
0x14: {  	_ =	swait.ge [sflag:s10], $0x20  }
0x15: {  	[sflag:s10] =	ssyncset.done $0x0  }
0x16: {  	[sflag:s10] =	ssyncadd.s32 $0xFFFFFFE0  }
0x17: {  	v3 =	vld [tilespmem:$0x0];
	_ =	sdelay $0x4  }
0x18: {  	v4 =	vshll.u32 v3, $0x3  }
0x19: {  	v3 =	vand.u32 $0x7, v3;
	v4 =	vand.u32 $0xFFFFFFC0, v4  }
0x1a: {  	v3 =	vor.u32 v3, v4  }
0x1b: {  	v4 =	vperm.xlane v3, v0;
	_ =	sdelay $0x1  }
0x1c: {  	v4 =	vadd.s32 v1, v4;
	_ =	sdelay $0x4  }
0x1d: {  	[tilespmem:s11], [sflag:$0x1] =	stream.indirect_vreg.gather [hbm4b:s3+s2], $0x80, v4, vm0, $0xb8;
	[tilespmem:$0x8080] =	vst v63  }
0x1e: {  	v3 =	vperm.xlane v3, v2  }
0x1f: {  	[tilespmem:s12], [sflag:$0x1] =	stream.indirect_vreg.gather [hbm4b:s4+s2], $0x80, v4, vm0, $0xb8;
	[tilespmem:$0x8080] =	vst v63  }
0x20: {  	v3 =	vadd.s32 v1, v3  }
0x21: {  	[tilespmem:s13], [sflag:$0x1] =	stream.indirect_vreg.gather [hbm4b:s5+s2], $0x80, v4, vm0, $0xb8;
	[tilespmem:$0x8080] =	vst v63  }
0x22: {  	_ = 	snop  }
0x23: {  	[tilespmem:s14], [sflag:$0x1] =	stream.indirect_vreg.gather [hbm4b:s6+s2], $0x80, v4, vm0, $0xb8;
	[tilespmem:$0x8080] =	vst v63  }
0x24: {  	_ = 	snop  }
0x25: {  	[tilespmem:s15], [sflag:$0x1] =	stream.indirect_vreg.gather [hbm4b:s3+s2], $0x80, v3, vm0, $0xb8;
	[tilespmem:$0x8080] =	vst v63  }
0x26: {  	_ = 	snop  }
0x27: {  	[tilespmem:s16], [sflag:$0x1] =	stream.indirect_vreg.gather [hbm4b:s4+s2], $0x80, v3, vm0, $0xb8;
	[tilespmem:$0x8080] =	vst v63  }
0x28: {  	_ = 	snop  }
0x29: {  	[tilespmem:s17], [sflag:$0x1] =	stream.indirect_vreg.gather [hbm4b:s5+s2], $0x80, v3, vm0, $0xb8;
	[tilespmem:$0x8080] =	vst v63  }
0x2a: {  	_ = 	snop  }
0x2b: {  	[tilespmem:s18], [sflag:$0x1] =	stream.indirect_vreg.gather [hbm4b:s6+s2], $0x80, v3, vm0, $0xb8;
	[tilespmem:$0x8080] =	vst v63  }
0x2c: {  	v3 =	vld [tilespmem:$0x10];
	_ =	sdelay $0x4  }
0x2d: {  	v63 =	vshll.u32 v3, $0x3  }
0x2e: {  	v3 =	vand.u32 $0x7, v3;
	v4 =	vand.u32 $0xFFFFFFC0, v63  }
0x2f: {  	v3 =	vor.u32 v3, v4  }
0x30: {  	v4 =	vperm.xlane v3, v0;
	_ =	sdelay $0x1  }
0x31: {  	v4 =	vadd.s32 v1, v4;
	_ =	sdelay $0x4  }
0x32: {  	[tilespmem:s19], [sflag:$0x1] =	stream.indirect_vreg.gather [hbm4b:s3+s2], $0x80, v4, vm0, $0xb8;
	[tilespmem:$0x8080] =	vst v63  }
0x33: {  	v3 =	vperm.xlane v3, v2  }
0x34: {  	[tilespmem:s20], [sflag:$0x1] =	stream.indirect_vreg.gather [hbm4b:s4+s2], $0x80, v4, vm0, $0xb8;
	[tilespmem:$0x8080] =	vst v63  }
0x35: {  	v3 =	vadd.s32 v1, v3  }
0x36: {  	[tilespmem:s21], [sflag:$0x1] =	stream.indirect_vreg.gather [hbm4b:s5+s2], $0x80, v4, vm0, $0xb8;
	[tilespmem:$0x8080] =	vst v63  }
0x37: {  	_ = 	snop  }
0x38: {  	[tilespmem:s22], [sflag:$0x1] =	stream.indirect_vreg.gather [hbm4b:s6+s2], $0x80, v4, vm0, $0xb8;
	[tilespmem:$0x8080] =	vst v63  }
0x39: {  	_ = 	snop  }
0x3a: {  	[tilespmem:s23], [sflag:$0x1] =	stream.indirect_vreg.gather [hbm4b:s3+s2], $0x80, v3, vm0, $0xb8;
	[tilespmem:$0x8080] =	vst v63  }
0x3b: {  	_ = 	snop  }
0x3c: {  	[tilespmem:s24], [sflag:$0x1] =	stream.indirect_vreg.gather [hbm4b:s4+s2], $0x80, v3, vm0, $0xb8;
	[tilespmem:$0x8080] =	vst v63  }
0x3d: {  	_ = 	snop  }
0x3e: {  	[tilespmem:s25], [sflag:$0x1] =	stream.indirect_vreg.gather [hbm4b:s5+s2], $0x80, v3, vm0, $0xb8;
	[tilespmem:$0x8080] =	vst v63  }
0x3f: {  	_ = 	snop  }
0x40: {  	[tilespmem:s26], [sflag:$0x1] =	stream.indirect_vreg.gather [hbm4b:s6+s2], $0x80, v3, vm0, $0xb8;
	[tilespmem:$0x8080] =	vst v63  }
0x41: {  	_ =	swait.ge [sflag:s28], $0x8000  }
0x42: {  	p0 =	sne.s32 s31, $0xC;
	[sflag:s28] =	ssyncset.done $0x0  }
.Ltmp0:
0x43: {  	[sflag:s28] =	ssyncadd.s32 $0xFFFF8000;
	(pc) =	sbr.rel @p0 .LBB2_2-.Ltmp0, $4  }
0x44: {  	[hbm4b:s30+s2] =	stream.linear.scatter [tilespmem:s11], [sflag:$0x2], $0x8000, $0x38;
	[tilespmem:$0x8080] =	vst v63  }
0x45: {  	_ =	swait.ge [sflag:s10], $0x8000  }
0x46: {  	[sflag:s10] =	ssyncset.done $0x0  }
0x47: {  	s31 =	sadd.s32 $0x4, s31;
	s30 =	sadd.s32 $0x1000, s30;
	[sflag:s10] =	ssyncadd.s32 $0xFFFF8000  }
0x48: {  	s29 =	sadd.s32 $0x1, s29  }
0x49: {  	p0 =	sne.s32 s29, s7  }
.Ltmp1:
0x4a: {  	_ = 	snop;
	(pc) =	sbr.rel @p0 .LBB2_1-.Ltmp1, $1  }
0x4b: {  	_ =	sdelay $0x3  }
0x4c: {  	_ =	sfence.sel $0x180000  }
0x4d: {  	[bflag:$0x0] =	sbarrier.arrive $0xFFFF  }
0x4e: {  	_ =	strace $0x9000004A  }
0x4f: {  	[bflag:$0x2] =	sbarrier.arrive $0xFFFF  }
0x50: {  	p0 =	sne.s32 s1, $0x0;
	s0 =	rddreg [dreg:$0x2]  }
0x51: {  	s0 =	sadd.s32 @!p0 $0x100000, s0  }
0x52: {  	[sflag:s0] =	ssyncadd.tile.s32 @!p0 $0x1;
	_ =	shalt  }
.Lfunc_end2:
_tile_overlayer_lowered:
.L_overlay_start_2:
0x53: {  	(tag) =	ssettag $0x2  }
0x54: {  	s0 =	rddreg [dreg:$0x0];
	s2 =	stileid.u32  }
0x55: {  	s1 =	rddreg [dreg:$0x1];
	p0 =	sne.s32 s2, $0x0  }
0x56: {  	s3 =	rddreg [dreg:$0x2];
	[bflag:$0x3] =	sbarrier.arrive $0xFFFF;
	s2 =	simm.s32 @!p0 $0x1C02  }
0x57: {  	[timem:s3], [sflag:s2] =	dma.local @!p0 [hbm:s0], s1  }
0x58: {  	s0 =	simm.s32 @!p0 $0x2  }
0x59: {  	_ =	swait.ge @!p0 [sflag:s0], s1  }
0x5a: {  	s1 =	ssub.s32 @!p0 $0x0, s1;
	[sflag:s0] =	ssyncset.done @!p0 $0x0  }
0x5b: {  	[sflag:s0] =	ssyncadd.s32 @!p0 s1  }
0x5c: {  	[bflag:$0x3] =	sbarrier.arrive $0xFFFF  }
0x5d: {  	_ =	shalt  }

// kernel: kernel.7.cloned.1.call-start
scs
__scs_entry_jumppad:
0x0: {  	(pc) =	sbr.rel $0x88, $3  }
0x1: {  	(tag) =	ssettag $0x0;
	lr =	simm.s32 $0x1  }
0x2: {  	[smem:$0x3F9C] =	sst lr;
	_ =	strace $0xD0000000  }
0x3: {  	_ = 	snop  }
0x4: {  	_ = 	snop  }
0x5: {  	_ = 	snop  }
0x6: {  	_ = 	snop  }
0x7: {  	_ = 	snop  }
__scs_overlays_trampoline_lowered:
0x8: {  	[smem:$0x3FAB] =	sst s0  }
0x9: {  	[smem:$0x3FAC] =	sst s1  }
0xa: {  	[smem:$0x3FAD] =	sst s2  }
0xb: {  	[smem:$0x3FAE] =	sst s3  }
0xc: {  	[smem:$0x3FAF] =	sst s4  }
0xd: {  	[smem:$0x3FB0] =	sst s5  }
0xe: {  	[smem:$0x3FB1] =	sst s6  }
0xf: {  	[smem:$0x3FB2] =	sst s7  }
0x10: {  	[smem:$0x3FB3] =	sst s8  }
0x11: {  	[smem:$0x3FB4] =	sst s9;
	s0 =	simm.s32 @!p0 $0x0  }
0x12: {  	s1 =	sld [smem:$0x3F9A];
	s0 =	simm.s32 @p0 $0x1  }
0x13: {  	[smem:$0x3FB5] =	sst s0;
	s0 =	simm.s32 @!p1 $0x0  }
0x14: {  	s2 =	sld [smem:$0x3F99];
	s0 =	simm.s32 @p1 $0x1  }
0x15: {  	[smem:$0x3FB6] =	sst s0;
	s0 =	simm.s32 @!p2 $0x0  }
0x16: {  	s3 =	sld [smem:$0x3FDB];
	s0 =	simm.s32 @p2 $0x1  }
0x17: {  	s4 =	simm.s32 $0x1BF5;
	[smem:$0x3FB8] =	sst s0  }
0x18: {  	s0 =	sld [smem:$0x3F9B];
	_ =	swait.ge [sflag:s4], $0x0  }
0x19: {  	s7 =	sld [smem:$0x3F9C]  }
0x1a: {  	s8 =	sadd.s32 $0xFFFFE003, lr  }
0x1b: {  	s9 =	sadd.s32 $0xFFFFFEF7, lr;
	s5 =	simm.s32 $0xFFFFFFFF;
	p2 =	slt.u32 s8, $0xFFFFF086  }
0x1c: {  	p1 =	slt.u32 s9, $0xF7A;
	s5 =	simm.s32 @!p2 $0x0  }
0x1d: {  	s5 =	simm.s32 @p1 $0x1;
	p0 =	seq.s32 s7, s2  }
0x1e: {  	s7 =	smul.u32 @!p0 $0xF7A, s2;
	p2 =	seq.s32 @!p0 s5, $0x0  }
0x1f: {  	s9 =	smul.u32 $0xF7A, s1;
	s8 =	simm.s32 @!p0 $0x1BF5;
	p2 =	por !p2, p0  }
0x20: {  	[sflag:s8] =	ssyncset.s32 @!p0 $0xFFFFF086;
	s6 =	sadd.s32 @!p0 s3, s7;
	s7 =	simm.s32 @!p0 $0x108  }
0x21: {  	s3 =	sadd.s32 s3, s9;
	s6 =	sadd.s32 @!p0 $0x88, s6;
	s7 =	simm.s32 @p2 $0x1082  }
0x22: {  	[simem:s7], [sflag:s8] =	dma.local @!p0 [hbm:s6], $0xF7A  }
0x23: {  	s9 =	sor.u32 $0xD0000000, s2;
	s6 =	simm.s32 $0x108;
	_ =	swait.ge @!p0 [sflag:s8], $0x0  }
0x24: {  	s3 =	sadd.s32 $0x88, s3;
	s6 =	simm.s32 @!p1 $0x1082;
	[sflag:s4] =	ssyncset.s32 $0xFFFFF086  }
0x25: {  	[simem:s6], [sflag:s4] =	dma.local [hbm:s3], $0xF7A  }
0x26: {  	[smem:$0x3F9C] =	sst s1;
	(tag) =	ssettag s2;
	_ =	strace s9  }
0x27: {  	s1 =	sld [smem:$0x3FAC]  }
0x28: {  	s2 =	sld [smem:$0x3FAD]  }
0x29: {  	s4 =	sld [smem:$0x3FAF]  }
0x2a: {  	p0 =	seq.s32 s5, $0x0;
	s5 =	sld [smem:$0x3FB0]  }
0x2b: {  	s6 =	sld [smem:$0x3FB1]  }
0x2c: {  	s7 =	sld [smem:$0x3FB2]  }
0x2d: {  	s3 =	simm.s32 $0x108;
	s8 =	sld [smem:$0x3FB3]  }
0x2e: {  	s3 =	simm.s32 @!p0 $0x1082;
	s9 =	sld [smem:$0x3FB4]  }
0x2f: {  	lr =	sadd.s32 s0, s3;
	s0 =	sld [smem:$0x3FAB]  }
0x30: {  	s3 =	sld [smem:$0x3FAE]  }
0x31: {  	[smem:$0x3FB7] =	sst s10  }
0x32: {  	s10 =	sld [smem:$0x3FB5];
	_ =	sdelay $0x3  }
0x33: {  	p0 =	seq.s32 s10, $0x1;
	s10 =	sld [smem:$0x3FB7];
	_ =	sdelay $0x3  }
0x34: {  	[smem:$0x3FB7] =	sst s10  }
0x35: {  	s10 =	sld [smem:$0x3FB6];
	_ =	sdelay $0x3  }
0x36: {  	p1 =	seq.s32 s10, $0x1;
	s10 =	sld [smem:$0x3FB7];
	_ =	sdelay $0x3  }
0x37: {  	[smem:$0x3FB7] =	sst s10  }
0x38: {  	s10 =	sld [smem:$0x3FB8]  }
0x39: {  	_ = 	snop;
	(pc) =	sbr.ind lr, $3  }
0x3a: {  	_ = 	snop  }
0x3b: {  	_ = 	snop  }
0x3c: {  	p2 =	seq.s32 s10, $0x1;
	s10 =	sld [smem:$0x3FB7]  }
0x3d: {  	_ =	shalt  }
0x3e: {  	_ =	shalt  }
0x3f: {  	_ =	shalt  }
0x40: {  	_ =	shalt  }
0x41: {  	_ =	shalt  }
0x42: {  	_ =	shalt  }
0x43: {  	_ =	shalt  }
0x44: {  	_ =	shalt  }
0x45: {  	_ =	shalt  }
0x46: {  	_ =	shalt  }
0x47: {  	_ =	shalt  }
0x48: {  	_ =	shalt  }
0x49: {  	_ =	shalt  }
0x4a: {  	_ =	shalt  }
0x4b: {  	_ =	shalt  }
0x4c: {  	_ =	shalt  }
0x4d: {  	_ =	shalt  }
0x4e: {  	_ =	shalt  }
0x4f: {  	_ =	shalt  }
0x50: {  	_ =	shalt  }
0x51: {  	_ =	shalt  }
0x52: {  	_ =	shalt  }
0x53: {  	_ =	shalt  }
0x54: {  	_ =	shalt  }
0x55: {  	_ =	shalt  }
0x56: {  	_ =	shalt  }
0x57: {  	_ =	shalt  }
0x58: {  	_ =	shalt  }
0x59: {  	_ =	shalt  }
0x5a: {  	_ =	shalt  }
0x5b: {  	_ =	shalt  }
0x5c: {  	_ =	shalt  }
0x5d: {  	_ =	shalt  }
0x5e: {  	_ =	shalt  }
0x5f: {  	_ =	shalt  }
0x60: {  	_ =	shalt  }
0x61: {  	_ =	shalt  }
0x62: {  	_ =	shalt  }
0x63: {  	_ =	shalt  }
0x64: {  	_ =	shalt  }
0x65: {  	_ =	shalt  }
0x66: {  	_ =	shalt  }
0x67: {  	_ =	shalt  }
0x68: {  	_ =	shalt  }
0x69: {  	_ =	shalt  }
0x6a: {  	_ =	shalt  }
0x6b: {  	_ =	shalt  }
0x6c: {  	_ =	shalt  }
0x6d: {  	_ =	shalt  }
0x6e: {  	_ =	shalt  }
0x6f: {  	_ =	shalt  }
0x70: {  	_ =	shalt  }
0x71: {  	_ =	shalt  }
0x72: {  	_ =	shalt  }
0x73: {  	_ =	shalt  }
0x74: {  	_ =	shalt  }
0x75: {  	_ =	shalt  }
0x76: {  	_ =	shalt  }
0x77: {  	_ =	shalt  }
0x78: {  	_ =	shalt  }
0x79: {  	_ =	shalt  }
0x7a: {  	_ =	shalt  }
0x7b: {  	_ =	shalt  }
0x7c: {  	_ =	shalt  }
0x7d: {  	_ =	shalt  }
0x7e: {  	_ =	shalt  }
0x7f: {  	_ =	shalt  }
0x80: {  	_ =	shalt  }
0x81: {  	_ =	shalt  }
0x82: {  	_ =	shalt  }
0x83: {  	_ =	shalt  }
0x84: {  	_ =	shalt  }
0x85: {  	_ =	shalt  }
0x86: {  	_ =	shalt  }
0x87: {  	_ =	shalt  }
.Lfunc_end0:
.L_simem_size_0:
called_computation_lowered:
.L_overlay_start_0:
0x88: {  	s2 =	sld [smem:$0x3FD9]  }
0x89: {  	s3 =	sld [smem:$0x3FFE];
	_ =	sdelay $0x1  }
0x8a: {  	s1 =	srdreg.scid  }
0x8b: {  	s0 =	sand.u32 $0x1, s1  }
0x8c: {  	s17 =	sshll.u32 s0, $0xA;
	s2 =	sadd.s32 s3, s2  }
0x8d: {  	s2 =	sadd.s32 s2, s17  }
0x8e: {  	[smem:$0x3FC3] =	sst s2  }
0x8f: {  	_ = 	snop  }
0x90: {  	s2 =	sld [smem:$0x3FD0];
	(tm) =	ssettm $0x1  }
0x91: {  	s18 =	sld [smem:$0x3FFB];
	_ =	sdelay $0x3  }
0x92: {  	_ =	strace s18  }
0x93: {  	s3 =	sld [smem:$0x3FFC];
	_ =	sdelay $0x3  }
0x94: {  	_ =	strace s3  }
0x95: {  	s3 =	sld [smem:$0x3FFD];
	_ =	sdelay $0x3  }
0x96: {  	_ =	strace s3  }
0x97: {  	_ =	strace $0x8FFFFFFF  }
0x98: {  	s19 =	sld [smem:$0x3FDB];
	_ =	sdelay $0x1  }
0x99: {  	s4 =	simm.s32 $_scs_section_size  }
0x9a: {  	s5 =	simm.s32 $_size__tile_overlayer_lowered;
	s6 =	simm.s32 $_tile_overlayer_lowered  }
0x9b: {  	s22 =	simm.s32 $0x1BFF;
	s21 =	sshll.u32 s6, $0x1;
	s3 =	sadd.s32 s4, s19  }
0x9c: {  	s7 =	simm.s32 $0x0;
	s20 =	sshll.u32 s5, $0x1;
	s5 =	sadd.s32 s21, s3  }
0x9d: {  	[timem:s7], [sflag:s22] =	dma.local [hbm:s5], s20  }
0x9e: {  	_ =	swait.ge [sflag:s22], s20  }
0x9f: {  	s4 =	ssub.s32 $0x0, s20;
	[sflag:s22] =	ssyncset.done $0x0  }
0xa0: {  	[sflag:s22] =	ssyncadd.s32 s4;
	_ =	sdelay $0x1  }
0xa1: {  	s23 =	simm.s32 $0x1B8B  }
0xa2: {  	_ =	swait.ge [sflag:s23], $0x1  }
0xa3: {  	[sflag:s23] =	ssyncset.done $0x0  }
0xa4: {  	s25 =	simm.s32 $0x1B8E;
	s24 =	sld [smem:$0x3FFE];
	[sflag:s23] =	ssyncadd.s32 $0xFFFFFFFF  }
0xa5: {  	s26 =	simm.s32 $execute0_lowered;
	[smem:$0x3FD2] =	sst s25  }
0xa6: {  	s5 =	sshll.u32 s26, $0x1;
	_ =	strace $0x80000046;
	[dreg:$0x1] =	wrdreg $0xFFFFFFFF  }
0xa7: {  	s28 =	simm.s32 $_size_execute0_lowered;
	s3 =	sadd.s32 s3, s5;
	[dreg:$0x0] =	wrdreg $0x0  }
0xa8: {  	s5 =	sshll.u32 s28, $0x1;
	[dreg:$0x2] =	wrdreg s3  }
0xa9: {  	[dreg:$0x3] =	wrdreg s5  }
0xaa: {  	[dreg:$0x4] =	wrdreg $0xC0  }
0xab: {  	_ =	task [dreg:s7], $0x5FFFF  }
0xac: {  	[dreg:$0x1] =	wrdreg $0xFFFFFFFF  }
0xad: {  	[dreg:$0x0] =	wrdreg $0x60  }
0xae: {  	[dreg:$0x2] =	wrdreg s2  }
0xaf: {  	[dreg:$0x3] =	wrdreg s24  }
0xb0: {  	[dreg:$0x4] =	wrdreg $0x9  }
0xb1: {  	_ =	task.clear_ibuf [dreg:s7], $0x5FFFF;
	_ =	strace $0x90000046  }
0xb2: {  	s29 =	simm.s32 $0x9;
	_ =	strace $0x80000048  }
0xb3: {  	_ =	swait.ge [sflag:s29], $0x1  }
0xb4: {  	[sflag:s29] =	ssyncadd.s32 $0xFFFFFFFF  }
0xb5: {  	_ =	strace $0x90000048  }
0xb6: {  	_ =	sfence  }
0xb7: {  	s30 =	sld [smem:$0x0];
	_ =	sdelay $0x2  }
0xb8: {  	s31 =	sshll.u32 s1, $0xD;
	s1 =	sshrl.u32 s1, $0x2  }
0xb9: {  	s3 =	sand.u32 $0x4000, s31;
	s1 =	sadd.s32 s1, s30  }
0xba: {  	s0 =	sor.u32 s3, s0;
	s1 =	sshll.u32 s1, $0x11  }
0xbb: {  	s0 =	sor.u32 s1, s0  }
0xbc: {  	s0 =	sadd.s32 $0x8F2B, s0  }
0xbd: {  	[sflag:s0] =	ssyncadd.remote.s32 $0x1  }
0xbe: {  	_ =	sfence.sel $0xFFFF  }
0xbf: {  	[dreg:$0x0] =	wrdreg $0xFFFFFFFF;
	(pc) =	sbr.abs _section_cstart, $3  }
0xc0: {  	[dreg:$0x1] =	wrdreg $0xFFFFFFFF  }
0xc1: {  	_ =	task.clear_ibuf [dreg:s7], $0x2FFFF;
	_ =	strace $0x9FFFFFFF  }
0xc2: {  	(tm) =	ssettm $0x7FFFFFFF  }
0xc3: {  	_ =	shalt  }
tec
execute0_lowered:
.L_overlay_start_1:
0x0: {  	(tag) =	ssettag $0x1  }
0x1: {  	s2 =	rddreg [dreg:$0x0]  }
0x2: {  	s0 =	rddreg [dreg:$0x1];
	s3 =	simm.s32 $0x0;
	s8 =	stileid.u32  }
0x3: {  	s1 =	srdreg.scid;
	s14 =	simm.s32 $0x2;
	s16 =	simm.s32 $0x80  }
0x4: {  	s18 =	simm.s32 $0x8100;
	s19 =	simm.s32 $0x100;
	s26 =	simm.s32 $0x20  }
0x5: {  	s22 =	simm.s32 $0x1900;
	s28 =	simm.s32 $0x4100;
	s29 =	simm.s32 $0x4900  }
0x6: {  	s30 =	simm.s32 $0x5100;
	s31 =	simm.s32 $0x5900;
	s20 =	simm.s32 $0x7100  }
0x7: {  	s21 =	simm.s32 $0x7900;
	[smem:$0x7FF] =	sst s3;
	s4 =	sshll.u32 s8, $0xC  }
0x8: {  	s1 =	sand.u32 $0x1, s1;
	s6 =	sadd.s32 $0xD0400, s0;
	s9 =	sshll.u32 s8, $0x8  }
0x9: {  	s8 =	sadd.s32 $0x10500, s0;
	_ =	strace $0x80000047;
	s11 =	sadd.s32 s4, s0  }
0xa: {  	s5 =	ssub.s32 $0x2, s1;
	s4 =	sadd.s32 $0x10400, s0;
	[dreg:$0x3] =	wrdreg s6  }
0xb: {  	s10 =	sshll.u32 s1, $0x7;
	s6 =	sadd.s32 $0x200, s2;
	s1 =	sshll.u32 s1, $0xB  }
0xc: {  	[dreg:$0x5] =	wrdreg s26;
	s26 =	simm.s32 $0x3900;
	s7 =	sshrl.u32 s5, $0x1  }
0xd: {  	s10 =	sor.u32 s10, s9;
	s9 =	sadd.s32 $0x10600, s0;
	s1 =	sadd.s32 s1, s11  }
0xe: {  	s12 =	ssub.s32 s5, s7;
	s5 =	sadd.s32 $0x100, s2;
	s7 =	sadd.s32 $0x300, s2  }
0xf: {  	s13 =	sshrl.u32 s10, $0x3;
	s10 =	sadd.s32 $0x10700, s0;
	s24 =	sadd.s32 $0x400, s1  }
0x10: {  	s1 =	simm.s32 $0x6900;
	s17 =	sadd.s32 s13, s0;
	s23 =	smax.u32 s12, $0x1  }
0x11: {  	v2 =	vlaneseq.u32;
	[dreg:$0x7] =	wrdreg s24;
	s12 =	simm.s32 $0x1;
	s0 =	simm.s32 $0x0  }
0x12: {  	vm0 =	vmmov $0xffff;
	v1 =	vshrl.u32 v2, $0x3;
	s24 =	simm.s32 $0x2900;
	[dreg:$0x6] =	wrdreg s23;
	s25 =	sadd.s32 $0x200, s17  }
0x13: {  	v0 =	vand.u32 $0x7, v2;
	v2 =	vor.u32 $0x8, v2;
	v1 =	vmul.u32 $0x8, v1;
	s23 =	simm.s32 $0x2100;
	[dreg:$0x4] =	wrdreg s25;
	s25 =	simm.s32 $0x3100  }
.LBB2_1:
0x14: {  	[dreg:$0x8] =	wrdreg s0  }
0x15: {  	s13 =	rddreg [dreg:$0x7];
	s11 =	simm.s32 $0x0;
	s0 =	simm.s32 $0x6100  }
.LBB2_2:
0x16: {  	s15 =	sadd.s32 s11, s17  }
0x17: {  	[tilespmem:s3], [sflag:$0x2] =	stream.linear.gather [hbm4b:s15+s3], $0x20, $0x38;
	[tilespmem:$0x9100] =	vst v63  }
0x18: {  	_ =	swait.ge [sflag:s14], $0x20  }
0x19: {  	s15 =	rddreg [dreg:$0x4];
	[sflag:s14] =	ssyncset.done $0x0  }
0x1a: {  	[sflag:s14] =	ssyncadd.s32 $0xFFFFFFE0;
	s15 =	sadd.s32 s11, s15  }
0x1b: {  	[tilespmem:s16], [sflag:$0x2] =	stream.linear.gather [hbm4b:s15+s3], $0x20, $0x38;
	[tilespmem:$0x9100] =	vst v63  }
0x1c: {  	_ =	swait.ge [sflag:s14], $0x20  }
0x1d: {  	[sflag:s14] =	ssyncset.done $0x0  }
0x1e: {  	[sflag:s14] =	ssyncadd.s32 $0xFFFFFFE0  }
0x1f: {  	[tilespmem:s18], [sflag:$0x2] =	stream.linear.gather [hbm4b:s13+s3], $0x1000, $0x38;
	[tilespmem:$0x9100] =	vst v63  }
0x20: {  	_ =	swait.ge [sflag:s14], $0x1000  }
0x21: {  	[sflag:s14] =	ssyncset.done $0x0  }
0x22: {  	[sflag:s14] =	ssyncadd.s32 $0xFFFFF000  }
0x23: {  	v3 =	vld [tilespmem:$0x0];
	_ =	sdelay $0x4  }
0x24: {  	v4 =	vshll.u32 v3, $0x3  }
0x25: {  	v3 =	vand.u32 $0x7, v3;
	v4 =	vand.u32 $0xFFFFFFC0, v4  }
0x26: {  	v3 =	vor.u32 v3, v4  }
0x27: {  	v4 =	vperm.xlane v3, v0;
	_ =	sdelay $0x1  }
0x28: {  	v4 =	vadd.s32 v1, v4;
	_ =	sdelay $0x4  }
0x29: {  	[tilespmem:s19], [sflag:$0x1] =	stream.indirect_vreg.gather [hbm4b:s2+s3], $0x80, v4, vm0, $0xb8;
	[tilespmem:$0x9100] =	vst v63  }
0x2a: {  	s16 =	simm.s32 $0x900;
	v3 =	vperm.xlane v3, v2  }
0x2b: {  	[tilespmem:s16], [sflag:$0x1] =	stream.indirect_vreg.gather [hbm4b:s5+s3], $0x80, v4, vm0, $0xb8;
	[tilespmem:$0x9100] =	vst v63  }
0x2c: {  	s18 =	simm.s32 $0x1100;
	v3 =	vadd.s32 v1, v3  }
0x2d: {  	[tilespmem:s18], [sflag:$0x1] =	stream.indirect_vreg.gather [hbm4b:s6+s3], $0x80, v4, vm0, $0xb8;
	[tilespmem:$0x9100] =	vst v63  }
0x2e: {  	_ = 	snop  }
0x2f: {  	[tilespmem:s22], [sflag:$0x1] =	stream.indirect_vreg.gather [hbm4b:s7+s3], $0x80, v4, vm0, $0xb8;
	[tilespmem:$0x9100] =	vst v63  }
0x30: {  	_ = 	snop  }
0x31: {  	[tilespmem:s23], [sflag:$0x1] =	stream.indirect_vreg.gather [hbm4b:s2+s3], $0x80, v3, vm0, $0xb8;
	[tilespmem:$0x9100] =	vst v63  }
0x32: {  	_ = 	snop  }
0x33: {  	[tilespmem:s24], [sflag:$0x1] =	stream.indirect_vreg.gather [hbm4b:s5+s3], $0x80, v3, vm0, $0xb8;
	[tilespmem:$0x9100] =	vst v63  }
0x34: {  	_ = 	snop  }
0x35: {  	[tilespmem:s25], [sflag:$0x1] =	stream.indirect_vreg.gather [hbm4b:s6+s3], $0x80, v3, vm0, $0xb8;
	[tilespmem:$0x9100] =	vst v63  }
0x36: {  	_ = 	snop  }
0x37: {  	[tilespmem:s26], [sflag:$0x1] =	stream.indirect_vreg.gather [hbm4b:s7+s3], $0x80, v3, vm0, $0xb8;
	[tilespmem:$0x9100] =	vst v63  }
0x38: {  	v3 =	vld [tilespmem:$0x10];
	_ =	sdelay $0x4  }
0x39: {  	v61 =	vshll.u32 v3, $0x3  }
0x3a: {  	v3 =	vand.u32 $0x7, v3;
	v4 =	vand.u32 $0xFFFFFFC0, v61  }
0x3b: {  	v3 =	vor.u32 v3, v4  }
0x3c: {  	v4 =	vperm.xlane v3, v0;
	_ =	sdelay $0x1  }
0x3d: {  	v4 =	vadd.s32 v1, v4;
	_ =	sdelay $0x4  }
0x3e: {  	[tilespmem:s28], [sflag:$0x1] =	stream.indirect_vreg.gather [hbm4b:s2+s3], $0x80, v4, vm0, $0xb8;
	[tilespmem:$0x9100] =	vst v63  }
0x3f: {  	v3 =	vperm.xlane v3, v2  }
0x40: {  	[tilespmem:s29], [sflag:$0x1] =	stream.indirect_vreg.gather [hbm4b:s5+s3], $0x80, v4, vm0, $0xb8;
	[tilespmem:$0x9100] =	vst v63  }
0x41: {  	v3 =	vadd.s32 v1, v3  }
0x42: {  	[tilespmem:s30], [sflag:$0x1] =	stream.indirect_vreg.gather [hbm4b:s6+s3], $0x80, v4, vm0, $0xb8;
	[tilespmem:$0x9100] =	vst v63  }
0x43: {  	_ = 	snop  }
0x44: {  	[tilespmem:s31], [sflag:$0x1] =	stream.indirect_vreg.gather [hbm4b:s7+s3], $0x80, v4, vm0, $0xb8;
	[tilespmem:$0x9100] =	vst v63  }
0x45: {  	_ = 	snop  }
0x46: {  	[tilespmem:s0], [sflag:$0x1] =	stream.indirect_vreg.gather [hbm4b:s2+s3], $0x80, v3, vm0, $0xb8;
	[tilespmem:$0x9100] =	vst v63  }
0x47: {  	_ = 	snop  }
0x48: {  	[tilespmem:s1], [sflag:$0x1] =	stream.indirect_vreg.gather [hbm4b:s5+s3], $0x80, v3, vm0, $0xb8;
	[tilespmem:$0x9100] =	vst v63  }
0x49: {  	_ = 	snop  }
0x4a: {  	[tilespmem:s20], [sflag:$0x1] =	stream.indirect_vreg.gather [hbm4b:s6+s3], $0x80, v3, vm0, $0xb8;
	[tilespmem:$0x9100] =	vst v63  }
0x4b: {  	_ = 	snop  }
0x4c: {  	[tilespmem:s21], [sflag:$0x1] =	stream.indirect_vreg.gather [hbm4b:s7+s3], $0x80, v3, vm0, $0xb8;
	[tilespmem:$0x9100] =	vst v63  }
0x4d: {  	_ =	swait.ge [sflag:s12], $0x8000  }
0x4e: {  	[sflag:s12] =	ssyncset.done $0x0  }
0x4f: {  	[sflag:s12] =	ssyncadd.s32 $0xFFFF8000  }
0x50: {  	v3 =	vld [tilespmem:$0x80];
	_ =	sdelay $0x4  }
0x51: {  	v62 =	vshll.u32 v3, $0x3  }
0x52: {  	v3 =	vand.u32 $0x7, v3;
	v4 =	vand.u32 $0xFFFFFFC0, v62  }
0x53: {  	v3 =	vor.u32 v3, v4  }
0x54: {  	v4 =	vperm.xlane v3, v0;
	_ =	sdelay $0x1  }
0x55: {  	v4 =	vadd.s32 v1, v4;
	_ =	sdelay $0x4  }
0x56: {  	[hbm4b:s4+s3] =	stream.indirect_vreg.scatter [tilespmem:s19], [sflag:$0x1], $0x80, v4, vm0, $0xb8;
	[tilespmem:$0x9100] =	vst v63  }
0x57: {  	v3 =	vperm.xlane v3, v2  }
0x58: {  	[hbm4b:s8+s3] =	stream.indirect_vreg.scatter [tilespmem:s16], [sflag:$0x1], $0x80, v4, vm0, $0xb8;
	[tilespmem:$0x9100] =	vst v63  }
0x59: {  	v3 =	vadd.s32 v1, v3  }
0x5a: {  	[hbm4b:s9+s3] =	stream.indirect_vreg.scatter [tilespmem:s18], [sflag:$0x1], $0x80, v4, vm0, $0xb8;
	[tilespmem:$0x9100] =	vst v63  }
0x5b: {  	_ = 	snop  }
0x5c: {  	[hbm4b:s10+s3] =	stream.indirect_vreg.scatter [tilespmem:s22], [sflag:$0x1], $0x80, v4, vm0, $0xb8;
	[tilespmem:$0x9100] =	vst v63  }
0x5d: {  	_ = 	snop  }
0x5e: {  	[hbm4b:s4+s3] =	stream.indirect_vreg.scatter [tilespmem:s23], [sflag:$0x1], $0x80, v3, vm0, $0xb8;
	[tilespmem:$0x9100] =	vst v63  }
0x5f: {  	_ = 	snop  }
0x60: {  	[hbm4b:s8+s3] =	stream.indirect_vreg.scatter [tilespmem:s24], [sflag:$0x1], $0x80, v3, vm0, $0xb8;
	[tilespmem:$0x9100] =	vst v63  }
0x61: {  	_ = 	snop  }
0x62: {  	[hbm4b:s9+s3] =	stream.indirect_vreg.scatter [tilespmem:s25], [sflag:$0x1], $0x80, v3, vm0, $0xb8;
	[tilespmem:$0x9100] =	vst v63  }
0x63: {  	_ = 	snop  }
0x64: {  	[hbm4b:s10+s3] =	stream.indirect_vreg.scatter [tilespmem:s26], [sflag:$0x1], $0x80, v3, vm0, $0xb8;
	[tilespmem:$0x9100] =	vst v63  }
0x65: {  	v3 =	vld [tilespmem:$0x90];
	_ =	sdelay $0x4  }
0x66: {  	v63 =	vshll.u32 v3, $0x3  }
0x67: {  	v3 =	vand.u32 $0x7, v3;
	v4 =	vand.u32 $0xFFFFFFC0, v63  }
0x68: {  	v3 =	vor.u32 v3, v4  }
0x69: {  	v4 =	vperm.xlane v3, v0;
	_ =	sdelay $0x1  }
0x6a: {  	v4 =	vadd.s32 v1, v4;
	_ =	sdelay $0x4  }
0x6b: {  	[hbm4b:s4+s3] =	stream.indirect_vreg.scatter [tilespmem:s28], [sflag:$0x1], $0x80, v4, vm0, $0xb8;
	[tilespmem:$0x9100] =	vst v63  }
0x6c: {  	v3 =	vperm.xlane v3, v2  }
0x6d: {  	[hbm4b:s8+s3] =	stream.indirect_vreg.scatter [tilespmem:s29], [sflag:$0x1], $0x80, v4, vm0, $0xb8;
	[tilespmem:$0x9100] =	vst v63  }
0x6e: {  	v3 =	vadd.s32 v1, v3  }
0x6f: {  	[hbm4b:s9+s3] =	stream.indirect_vreg.scatter [tilespmem:s30], [sflag:$0x1], $0x80, v4, vm0, $0xb8;
	[tilespmem:$0x9100] =	vst v63  }
0x70: {  	_ = 	snop  }
0x71: {  	[hbm4b:s10+s3] =	stream.indirect_vreg.scatter [tilespmem:s31], [sflag:$0x1], $0x80, v4, vm0, $0xb8;
	[tilespmem:$0x9100] =	vst v63  }
0x72: {  	_ = 	snop  }
0x73: {  	[hbm4b:s4+s3] =	stream.indirect_vreg.scatter [tilespmem:s0], [sflag:$0x1], $0x80, v3, vm0, $0xb8;
	[tilespmem:$0x9100] =	vst v63  }
0x74: {  	_ = 	snop  }
0x75: {  	[hbm4b:s8+s3] =	stream.indirect_vreg.scatter [tilespmem:s1], [sflag:$0x1], $0x80, v3, vm0, $0xb8;
	[tilespmem:$0x9100] =	vst v63  }
0x76: {  	_ = 	snop  }
0x77: {  	[hbm4b:s9+s3] =	stream.indirect_vreg.scatter [tilespmem:s20], [sflag:$0x1], $0x80, v3, vm0, $0xb8;
	[tilespmem:$0x9100] =	vst v63  }
0x78: {  	_ = 	snop  }
0x79: {  	[hbm4b:s10+s3] =	stream.indirect_vreg.scatter [tilespmem:s21], [sflag:$0x1], $0x80, v3, vm0, $0xb8;
	[tilespmem:$0x9100] =	vst v63  }
0x7a: {  	p0 =	sne.s32 s11, $0xC;
	s19 =	simm.s32 $0x8100;
	_ =	swait.ge [sflag:s12], $0x8000  }
0x7b: {  	s18 =	simm.s32 $0x80;
	s15 =	rddreg [dreg:$0x3];
	[sflag:s12] =	ssyncset.done $0x0  }
.Ltmp0:
0x7c: {  	s16 =	rddreg [dreg:$0x5];
	[sflag:s12] =	ssyncadd.s32 $0xFFFF8000;
	(pc) =	sbr.rel @p0 .LBB2_2-.Ltmp0, $4  }
0x7d: {  	[hbm4b:s15+s16] =	stream.indirect.scatter [tilespmem:s19], [sflag:$0x1], $0x80, s18, s16, $0xb8;
	[tilespmem:$0x9100] =	vst v63  }
0x7e: {  	s11 =	sadd.s32 $0x4, s11;
	_ =	swait.ge [sflag:s12], $0x1000  }
0x7f: {  	s13 =	sadd.s32 $0x200, s13;
	s19 =	simm.s32 $0x100;
	[sflag:s12] =	ssyncset.done $0x0  }
0x80: {  	s18 =	simm.s32 $0x8100;
	s16 =	simm.s32 $0x80;
	[sflag:s12] =	ssyncadd.s32 $0xFFFFF000  }
0x81: {  	s0 =	rddreg [dreg:$0x8]  }
0x82: {  	s11 =	rddreg [dreg:$0x6];
	s0 =	sadd.s32 $0x1, s0  }
0x83: {  	p0 =	sne.s32 s0, s11  }
.Ltmp1:
0x84: {  	_ = 	snop;
	(pc) =	sbr.rel @p0 .LBB2_1-.Ltmp1, $1  }
0x85: {  	_ =	sdelay $0x3  }
0x86: {  	_ =	sfence.sel $0x180000  }
0x87: {  	[bflag:$0x0] =	sbarrier.arrive $0xFFFF  }
0x88: {  	_ =	strace $0x90000047  }
0x89: {  	s0 =	stileid.u32;
	[bflag:$0x2] =	sbarrier.arrive $0xFFFF  }
0x8a: {  	p0 =	sne.s32 s0, $0x0;
	s0 =	rddreg [dreg:$0x2]  }
0x8b: {  	s0 =	sadd.s32 @!p0 $0x100000, s0  }
0x8c: {  	[sflag:s0] =	ssyncadd.tile.s32 @!p0 $0x1;
	_ =	shalt  }
.Lfunc_end2:
_tile_overlayer_lowered:
.L_overlay_start_2:
0x8d: {  	(tag) =	ssettag $0x2  }
0x8e: {  	s0 =	rddreg [dreg:$0x0];
	s2 =	stileid.u32  }
0x8f: {  	s1 =	rddreg [dreg:$0x1];
	p0 =	sne.s32 s2, $0x0  }
0x90: {  	s3 =	rddreg [dreg:$0x2];
	[bflag:$0x3] =	sbarrier.arrive $0xFFFF;
	s2 =	simm.s32 @!p0 $0x1C02  }
0x91: {  	[timem:s3], [sflag:s2] =	dma.local @!p0 [hbm:s0], s1  }
0x92: {  	s0 =	simm.s32 @!p0 $0x2  }
0x93: {  	_ =	swait.ge @!p0 [sflag:s0], s1  }
0x94: {  	s1 =	ssub.s32 @!p0 $0x0, s1;
	[sflag:s0] =	ssyncset.done @!p0 $0x0  }
0x95: {  	[sflag:s0] =	ssyncadd.s32 @!p0 s1  }
0x96: {  	[bflag:$0x3] =	sbarrier.arrive $0xFFFF  }
0x97: {  	_ =	shalt  }

</sc_bundles>
